<compile_context>
chip_gen: v7x
topology: tpu7x:2x2x1
jax: 0.10.2.dev20260603
libtpu: 0.0.44.dev20260713+nightly
codegen_flags: <defaults>
</compile_context>

<pallas_src>
import functools
import jax
import jax.numpy as jnp
import numpy as np
from jax import lax
from jax.experimental import pallas as pl
from jax.experimental.pallas import tpu as pltpu
from jax.experimental.pallas import tpu_sc as plsc

S = 512
NS = 32
RAD4 = 0.4 ** 4
CUT = 0.025599997490644455
EPS = 1e-5



def _table_kernel(pts_ref, xyz_ref, w1pt_ref, w1xt_ref, b1_ref, out_ref):
    pts = pts_ref[...]
    z = jnp.dot(pts, w1pt_ref[...], preferred_element_type=jnp.float32)
    for c in range(3):
        z += xyz_ref[:, c:c + 1] * w1xt_ref[c:c + 1, :]
    z = z + b1_ref[...]
    out_ref[...] = jnp.concatenate([z, jnp.zeros_like(z)], axis=1)


def _stats_kernel(z_ref, out_ref, acc):
    i = pl.program_id(0)

    @pl.when(i == 0)
    def _():
        acc[...] = jnp.zeros_like(acc)

    z = z_ref[...]
    acc[0:1, :] += jnp.sum(z, axis=0, keepdims=True)
    acc[1:2, :] += jnp.sum(z * z, axis=0, keepdims=True)

    @pl.when(i == pl.num_programs(0) - 1)
    def _():
        out_ref[...] = acc[...]


def _layer2_kernel(z_ref, sc_ref, sh_ref, w2t_ref, out_ref, st_ref, acc):
    i = pl.program_id(0)

    @pl.when(i == 0)
    def _():
        acc[...] = jnp.zeros_like(acc)

    a = jnp.maximum(z_ref[...] * sc_ref[...] + sh_ref[...], 0.0)
    z2 = jnp.dot(a, w2t_ref[...], preferred_element_type=jnp.float32)
    out_ref[...] = z2
    acc[0:1, :] += jnp.sum(z2, axis=0, keepdims=True)
    acc[1:2, :] += jnp.sum(z2 * z2, axis=0, keepdims=True)

    @pl.when(i == pl.num_programs(0) - 1)
    def _():
        st_ref[...] = acc[...]


def _layer3_kernel(z_ref, sc_ref, sh_ref, w3t_ref, out_ref, st_ref, acc):
    i = pl.program_id(0)

    @pl.when(i == 0)
    def _():
        acc[...] = jnp.zeros_like(acc)

    a = jnp.maximum(z_ref[...] * sc_ref[...] + sh_ref[...], 0.0)
    z3 = jnp.dot(a, w3t_ref[...], preferred_element_type=jnp.float32)
    acc[0:1, :] += jnp.sum(z3, axis=0, keepdims=True)
    acc[1:2, :] += jnp.sum(z3 * z3, axis=0, keepdims=True)
    blk = z3.shape[0]
    out_ref[...] = jnp.max(z3.reshape(blk // NS, NS, z3.shape[1]), axis=1)

    @pl.when(i == pl.num_programs(0) - 1)
    def _():
        st_ref[...] = acc[...]


def _final_kernel(z_ref, sc_ref, sh_ref, out_ref):
    out_ref[...] = jnp.maximum(z_ref[...] * sc_ref[...] + sh_ref[...], 0.0)


def _row_blocked(nrows, blk, ncols):
    return pl.BlockSpec((blk, ncols), lambda i: (i, 0))


def _bcast_spec(shape):
    return pl.BlockSpec(shape, lambda i: (0, 0))


def _scale_shift(sums, ntot, g, be):
    m = sums[0] / ntot
    var = jnp.maximum(sums[1] / ntot - m * m, 0.0)
    sc = g / jnp.sqrt(var + EPS)
    return sc, be - m * sc



def _lane0_store(ref, t, vec):
    mask = lax.iota(jnp.int32, 16) == 0
    plsc.store_scatter(ref, [jnp.full((16,), t, jnp.int32)], vec, mask=mask)


def _splat_load(ref, i):
    return plsc.load_gather(ref, [jnp.full((16,), i, jnp.int32)])


def _bf16_round(v):
    u = plsc.bitcast(v, jnp.uint32)
    r = (u + jnp.uint32(0x7FFF) + ((u >> jnp.uint32(16)) & jnp.uint32(1))) \
        & jnp.uint32(0xFFFF0000)
    return plsc.bitcast(r, jnp.float32)


def _make_fps_kernel(B, N):
    mesh = plsc.VectorSubcoreMesh(core_axis_name="c", subcore_axis_name="s")

    @functools.partial(
        pl.kernel,
        out_type=[jax.ShapeDtypeStruct((B, S), jnp.float32)] * 3,
        mesh=mesh,
        compiler_params=pltpu.CompilerParams(needs_layout_passes=False),
        scratch_types=[pltpu.VMEM((N,), jnp.float32)] * 4
                      + [pltpu.VMEM((S,), jnp.float32)] * 3,
    )
    def fps_k(x_hbm, y_hbm, z_hbm, nx_hbm, ny_hbm, nz_hbm,
              xv, yv, zv, dv, cxv, cyv, czv):
        w = lax.axis_index("s") * 2 + lax.axis_index("c")

        @pl.when(w < B)
        def _():
            pltpu.sync_copy(x_hbm.at[w], xv)
            pltpu.sync_copy(y_hbm.at[w], yv)
            pltpu.sync_copy(z_hbm.at[w], zv)

            def initc(c, carry):
                dv[pl.ds(c * 16, 16)] = jnp.full((16,), 1e10, jnp.float32)
                return carry

            lax.fori_loop(0, N // 16, initc, jnp.int32(0))

            def step(t, far):
                cx = _splat_load(xv, far)
                cy = _splat_load(yv, far)
                cz = _splat_load(zv, far)
                _lane0_store(cxv, t, cx)
                _lane0_store(cyv, t, cy)
                _lane0_store(czv, t, cz)

                def chunk(c, carry):
                    vmax, vidx = carry
                    sl = pl.ds(c * 16, 16)
                    dx = xv[sl] - cx
                    dy = yv[sl] - cy
                    dz = zv[sl] - cz
                    d = dx * dx + dy * dy + dz * dz
                    dn = jnp.minimum(dv[sl], d)
                    dv[sl] = dn
                    pred = dn > vmax
                    idxs = lax.iota(jnp.int32, 16) + c * 16
                    return jnp.where(pred, dn, vmax), jnp.where(pred, idxs, vidx)

                vmax, vidx = lax.fori_loop(
                    0, N // 16, chunk,
                    (jnp.full((16,), -1.0, jnp.float32),
                     jnp.zeros((16,), jnp.int32)))
                m = jnp.max(vmax)
                cand = jnp.where(vmax == m, vidx, jnp.int32(2 ** 30))
                return jnp.min(cand)

            lax.fori_loop(0, S, step, jnp.int32(0))
            pltpu.sync_copy(cxv, nx_hbm.at[w])
            pltpu.sync_copy(cyv, ny_hbm.at[w])
            pltpu.sync_copy(czv, nz_hbm.at[w])

    return fps_k


def _make_bq_kernel(B, N, D):
    mesh = plsc.VectorSubcoreMesh(core_axis_name="c", subcore_axis_name="s")
    QPW = 256
    P = B * S * NS

    @functools.partial(
        pl.kernel,
        out_type=[jax.ShapeDtypeStruct((P, 2 * D), jnp.float32),
                  jax.ShapeDtypeStruct((32, 2 * D), jnp.float32)],
        mesh=mesh,
        compiler_params=pltpu.CompilerParams(needs_layout_passes=False),
        scratch_types=[pltpu.VMEM((N,), jnp.float32)] * 7
                      + [pltpu.VMEM((QPW,), jnp.float32)] * 3
                      + [pltpu.VMEM((3 * D,), jnp.float32),
                         pltpu.VMEM((NS,), jnp.int32),
                         pltpu.VMEM((NS, 2 * D), jnp.float32),
                         pltpu.VMEM((2 * D,), jnp.float32),
                         pltpu.SemaphoreType.DMA],
    )
    def bq_k(x_hbm, y_hbm, z_hbm, nx_hbm, ny_hbm, nz_hbm, w1xt_hbm, table_hbm,
             z1_hbm, stats_hbm,
             xv, yv, zv, x2v, xbv, ybv, zbv,
             nxv, nyv, nzv, wrow, idxb, gbuf, statsv, sem):
        w = lax.axis_index("s") * 2 + lax.axis_index("c")
        b = w // 2
        qbase = (w % 2) * QPW
        pltpu.sync_copy(x_hbm.at[b], xv)
        pltpu.sync_copy(y_hbm.at[b], yv)
        pltpu.sync_copy(z_hbm.at[b], zv)
        pltpu.sync_copy(nx_hbm.at[b, pl.ds(qbase, QPW)], nxv)
        pltpu.sync_copy(ny_hbm.at[b, pl.ds(qbase, QPW)], nyv)
        pltpu.sync_copy(nz_hbm.at[b, pl.ds(qbase, QPW)], nzv)
        pltpu.sync_copy(w1xt_hbm, wrow)

        def sqn(c, carry):
            sl = pl.ds(c * 16, 16)
            xs = xv[sl]
            ys = yv[sl]
            zs = zv[sl]
            x2v[sl] = xs * xs + ys * ys + zs * zs
            xbv[sl] = _bf16_round(xs)
            ybv[sl] = _bf16_round(ys)
            zbv[sl] = _bf16_round(zs)
            return carry

        lax.fori_loop(0, N // 16, sqn, jnp.int32(0))

        goffv = jnp.full((16,), b * N, jnp.int32)
        zero16 = jnp.zeros((16,), jnp.float32)

        def query(qi, stats):
            qx = _splat_load(nxv, qi)
            qy = _splat_load(nyv, qi)
            qz = _splat_load(nzv, qi)
            q2 = qx * qx + qy * qy + qz * qz
            qxb = _bf16_round(qx)
            qyb = _bf16_round(qy)
            qzb = _bf16_round(qz)

            def chunk(c, car):
                vmin, vimin, cntv = car
                sl = pl.ds(c * 16, 16)
                s = qxb * xbv[sl] + qyb * ybv[sl] + qzb * zbv[sl]
                d2 = jnp.maximum(q2 + x2v[sl] - 2.0 * s, 0.0)
                m = d2 < CUT
                idxs = lax.iota(jnp.int32, 16) + c * 16
                mi = jnp.where(m, jnp.int32(1), jnp.int32(0))
                pos = cntv + plsc.cumsum(mi) - 1
                wm = m & (pos < NS)
                plsc.store_scatter(idxb, [pos], idxs, mask=wm)
                cntv = cntv + plsc.all_reduce_population_count(m)
                pred = d2 < vmin
                vmin = jnp.where(pred, d2, vmin)
                vimin = jnp.where(pred, idxs, vimin)
                return vmin, vimin, cntv

            vmin, vimin, cntv = lax.fori_loop(
                0, N // 16, chunk,
                (jnp.full((16,), 1e30, jnp.float32),
                 jnp.zeros((16,), jnp.int32),
                 jnp.zeros((16,), jnp.int32)))
            mn = jnp.min(vmin)
            near = jnp.min(jnp.where(vmin == mn, vimin, jnp.int32(2 ** 30)))
            nearv = jnp.full((16,), near, jnp.int32)
            cntc = jnp.minimum(cntv, NS)
            for c2 in range(NS // 16):
                sl = pl.ds(c2 * 16, 16)
                ii = lax.iota(jnp.int32, 16) + c2 * 16
                idxb[sl] = jnp.where(ii < cntc, idxb[sl], nearv) + goffv

            pltpu.async_copy(table_hbm.at[idxb], gbuf, sem).wait()

            def corr(r, st):
                out = []
                for k in range(D // 16):
                    sl = pl.ds(k * 16, 16)
                    wk = (qx * wrow[sl]
                          + qy * wrow[pl.ds(D + k * 16, 16)]
                          + qz * wrow[pl.ds(2 * D + k * 16, 16)])
                    v = gbuf[r, sl] - wk
                    gbuf[r, sl] = v
                    out.append(st[k] + v)
                    out.append(st[k + D // 16] + v * v)
                return tuple(out[i] for i in range(0, len(out), 2)) + \
                       tuple(out[i] for i in range(1, len(out), 2))

            stats = lax.fori_loop(0, NS, corr, stats)
            row0 = (w * QPW + qi) * NS
            pltpu.sync_copy(gbuf, z1_hbm.at[pl.ds(row0, NS)])
            return stats

        stats = lax.fori_loop(0, QPW, query, (zero16,) * 8)
        for k in range(2 * D // 16):
            statsv[pl.ds(k * 16, 16)] = stats[k]
        pltpu.sync_copy(statsv, stats_hbm.at[w])

    return bq_k



def _fps_xla(xyzT, npoint):
    Bn, N, _ = xyzT.shape

    def body(carry, _):
        distance, farthest = carry
        centroid = xyzT[jnp.arange(Bn), farthest][:, None, :]
        dist = jnp.sum((xyzT - centroid) ** 2, axis=-1)
        distance = jnp.minimum(distance, dist)
        nxt = jnp.argmax(distance, axis=-1).astype(jnp.int32)
        return (distance, nxt), farthest

    init = (jnp.full((Bn, N), 1e10, dtype=xyzT.dtype),
            jnp.zeros((Bn,), dtype=jnp.int32))
    _, cent = jax.lax.scan(body, init, None, length=npoint)
    return jnp.transpose(cent)


def _ball_query_xla(xyzT, new_xyz):
    Bn, N, _ = xyzT.shape
    q2 = jnp.sum(new_xyz ** 2, axis=-1)[..., None]
    x2 = jnp.sum(xyzT ** 2, axis=-1)[:, None, :]
    d2 = jnp.clip(q2 + x2 - 2.0 * jnp.einsum('bsc,bnc->bsn', new_xyz, xyzT),
                  0.0, None)
    nearest = jnp.argmin(d2, axis=-1).astype(jnp.int32)
    inball = d2 < RAD4
    order = jnp.where(inball, jnp.arange(N, dtype=jnp.int32)[None, None, :],
                      jnp.int32(N + 1))
    sortidx = jnp.sort(order, axis=-1)[:, :, :NS]
    return jnp.where(sortidx <= N, sortidx, nearest[:, :, None]).astype(jnp.int32)



def kernel(xyz, points, W1, b1, g1, be1, W2, b2, g2, be2, W3, b3, g3, be3):
    B, _, N = xyz.shape
    D = points.shape[1]
    C2 = W2.shape[0]
    C3 = W3.shape[0]
    xyzT = jnp.transpose(xyz, (0, 2, 1))
    ptsT = jnp.transpose(points, (0, 2, 1))
    P = B * S * NS
    ntot = jnp.float32(P)

    BLK0 = 2048
    table = pl.pallas_call(
        _table_kernel,
        grid=(B * N // BLK0,),
        in_specs=[_row_blocked(B * N, BLK0, D),
                  pl.BlockSpec((BLK0, 3), lambda i: (i, 0)),
                  _bcast_spec((D, D)),
                  _bcast_spec((3, D)),
                  pl.BlockSpec((1, D), lambda i: (0, 0))],
        out_specs=_row_blocked(B * N, BLK0, 2 * D),
        out_shape=jax.ShapeDtypeStruct((B * N, 2 * D), jnp.float32),
    )(ptsT.reshape(B * N, D), xyzT.reshape(B * N, 3),
      W1[:, 3:].T, W1[:, :3].T, b1[None, :])

    cent = _fps_xla(xyzT, S)
    new_xyz = jnp.take_along_axis(
        xyzT, cent[:, :, None].astype(jnp.int32), axis=1)
    nx = new_xyz[:, :, 0]
    ny = new_xyz[:, :, 1]
    nz = new_xyz[:, :, 2]

    w1xt = jnp.concatenate([W1[:, 0], W1[:, 1], W1[:, 2]])
    z1, statsp = _make_bq_kernel(B, N, D)(
        xyz[:, 0, :], xyz[:, 1, :], xyz[:, 2, :], nx, ny, nz, w1xt, table)
    stats1 = jnp.sum(statsp, axis=0).reshape(2, D)
    sc1, sh1 = _scale_shift(stats1, ntot, g1, be1)

    BLK = 1024
    grid = (P // BLK,)

    pad = jnp.zeros((D,), jnp.float32)
    sc1p = jnp.concatenate([sc1, pad])
    sh1p = jnp.concatenate([sh1, pad])
    w2tp = jnp.concatenate([W2.T, jnp.zeros((D, C2), jnp.float32)], axis=0)
    z2, stats2 = pl.pallas_call(
        _layer2_kernel,
        grid=grid,
        in_specs=[_row_blocked(P, BLK, 2 * D),
                  _bcast_spec((1, 2 * D)), _bcast_spec((1, 2 * D)),
                  _bcast_spec((2 * D, C2))],
        out_specs=[_row_blocked(P, BLK, C2),
                   pl.BlockSpec((8, C2), lambda i: (0, 0))],
        out_shape=[jax.ShapeDtypeStruct((P, C2), jnp.float32),
                   jax.ShapeDtypeStruct((8, C2), jnp.float32)],
        scratch_shapes=[pltpu.VMEM((8, C2), jnp.float32)],
    )(z1, sc1p[None, :], sh1p[None, :], w2tp)
    sc2, sh2 = _scale_shift(stats2, ntot, g2, be2)

    zmax, stats3 = pl.pallas_call(
        _layer3_kernel,
        grid=grid,
        in_specs=[_row_blocked(P, BLK, C2),
                  _bcast_spec((1, C2)), _bcast_spec((1, C2)),
                  _bcast_spec((C2, C3))],
        out_specs=[pl.BlockSpec((BLK // NS, C3), lambda i: (i, 0)),
                   pl.BlockSpec((8, C3), lambda i: (0, 0))],
        out_shape=[jax.ShapeDtypeStruct((B * S, C3), jnp.float32),
                   jax.ShapeDtypeStruct((8, C3), jnp.float32)],
        scratch_shapes=[pltpu.VMEM((8, C3), jnp.float32)],
    )(z2, sc2[None, :], sh2[None, :], W3.T)
    sc3, sh3 = _scale_shift(stats3, ntot, g3, be3)

    out = pl.pallas_call(
        _final_kernel,
        grid=(B * S // BLK,),
        in_specs=[_row_blocked(B * S, BLK, C3),
                  _bcast_spec((1, C3)), _bcast_spec((1, C3))],
        out_specs=_row_blocked(B * S, BLK, C3),
        out_shape=jax.ShapeDtypeStruct((B * S, C3), jnp.float32),
    )(zmax, sc3[None, :], sh3[None, :])

    new_xyz_out = jnp.transpose(new_xyz, (0, 2, 1))
    new_points_out = jnp.transpose(out.reshape(B, S, C3), (0, 2, 1))
    return (new_xyz_out, new_points_out)

# --- scband reference (transcript-rebuilt; emitter-appended) ---
"""Pipeline reference for scband-point-net-set-abstraction-9698036154799 (READ-ONLY COPY).

The authoritative reference and input builder live on the scoring server;
editing this copy changes nothing except your own understanding.
"""

import jax, jax.numpy as jnp
import numpy as np

NPOINT = 512
RADIUS = 0.4
NSAMPLE = 32
IN_CH = 67
MLP = [64, 64, 128]


def index_points(points, idx):
    B = points.shape[0]
    batch = jnp.arange(B).reshape((B,) + (1,) * (idx.ndim - 1))
    return points[batch, idx]


def fps(xyz, npoint):
    # xyz: [B, N, 3] -> centroids [B, npoint] (deterministic start at index 0)
    B, N, C = xyz.shape

    def body(carry, _):
        distance, farthest = carry
        centroid = xyz[jnp.arange(B), farthest][:, None, :]
        dist = jnp.sum((xyz - centroid) ** 2, axis=-1)
        distance = jnp.minimum(distance, dist)
        nxt = jnp.argmax(distance, axis=-1).astype(jnp.int32)
        return (distance, nxt), farthest

    init = (jnp.full((B, N), 1e10, dtype=xyz.dtype), jnp.zeros((B,), dtype=jnp.int32))
    _, cent = jax.lax.scan(body, init, None, length=npoint)
    return jnp.transpose(cent)  # [B, npoint]


def ball_query(xyz, new_xyz, radius, nsample):
    # faithful to torch: cdist gives euclidean distance, compared against radius**2
    q2 = jnp.sum(new_xyz ** 2, axis=-1)[..., None]
    x2 = jnp.sum(xyz ** 2, axis=-1)[:, None, :]
    d2 = jnp.clip(q2 + x2 - 2.0 * jnp.einsum('bsc,bnc->bsn', new_xyz, xyz), 0.0, None)
    sqrdists = jax.lax.stop_gradient(jnp.sqrt(d2))
    _, idx = jax.lax.top_k(-sqrdists, nsample)
    gathered = jnp.take_along_axis(sqrdists, idx, axis=-1)
    mask = gathered < radius ** 2
    idx = jnp.where(mask, idx, idx[:, :, 0:1])
    return idx


def batchnorm2d(x, g, b):
    mean = jnp.mean(x, axis=(0, 2, 3), keepdims=True)
    var = jnp.var(x, axis=(0, 2, 3), keepdims=True)
    return g[None, :, None, None] * (x - mean) / jnp.sqrt(var + 1e-5) + b[None, :, None, None]


def setup_inputs(seed: int = 0) -> dict:
    key = jax.random.key(seed)
    ks = jax.random.split(key, 8)
    inp = {}
    inp['xyz'] = jax.random.normal(ks[0], (16, 3, 4096), dtype=jnp.float32)
    inp['points'] = jax.random.normal(ks[1], (16, 64, 4096), dtype=jnp.float32)
    last = IN_CH
    for i, out_c in enumerate(MLP):
        inp[f'W{i+1}'] = jax.random.normal(ks[2 + i], (out_c, last), dtype=jnp.float32) * (1.0 / np.sqrt(last))
        inp[f'b{i+1}'] = jnp.zeros((out_c,), dtype=jnp.float32)
        inp[f'g{i+1}'] = jnp.ones((out_c,), dtype=jnp.float32)
        inp[f'be{i+1}'] = jnp.zeros((out_c,), dtype=jnp.float32)
        last = out_c
    return inp


def reference(xyz, points, W1, b1, g1, be1, W2, b2, g2, be2, W3, b3, g3, be3):
    xyzT = jnp.transpose(xyz, (0, 2, 1))      # [B, N, 3]
    ptsT = jnp.transpose(points, (0, 2, 1))   # [B, N, D]
    cent = fps(xyzT, NPOINT)
    new_xyz = index_points(xyzT, cent)        # [B, S, 3]
    idx = ball_query(xyzT, new_xyz, RADIUS, NSAMPLE)  # [B, S, ns]
    grouped_xyz = index_points(xyzT, idx)     # [B, S, ns, 3]
    grouped_norm = grouped_xyz - new_xyz[:, :, None, :]
    grouped_pts = index_points(ptsT, idx)     # [B, S, ns, D]
    new_points = jnp.concatenate([grouped_norm, grouped_pts], axis=-1)  # [B, S, ns, C+D]
    x = jnp.transpose(new_points, (0, 3, 2, 1))  # [B, C+D, ns, S]
    for W, b, g, be in ((W1, b1, g1, be1), (W2, b2, g2, be2), (W3, b3, g3, be3)):
        x = jnp.einsum('bchw,oc->bohw', x, W) + b[None, :, None, None]
        x = jax.nn.relu(batchnorm2d(x, g, be))
    new_points_out = jnp.max(x, axis=2)       # [B, 128, S]
    new_xyz_out = jnp.transpose(new_xyz, (0, 2, 1))  # [B, 3, S]
    return (new_xyz_out, new_points_out)

if __name__ == "__main__":
    import jax
    _d = setup_inputs()
    print(jax.jit(kernel)(*tuple(_d.values())))

</pallas_src>

<mosaic_0001>
#map = affine_map<(d0, d1) -> (0, 0)>
#map1 = affine_map<(d0, d1) -> (0)>
module attributes {stable_mosaic.version = 14 : i64} {
  func.func @bq_k(%arg0: i32, %arg1: i32, %arg2: memref<16x4096xf32, #tpu.memory_space<hbm>>, %arg3: memref<16x4096xf32, #tpu.memory_space<hbm>>, %arg4: memref<16x4096xf32, #tpu.memory_space<hbm>>, %arg5: memref<16x512xf32, #tpu.memory_space<hbm>>, %arg6: memref<16x512xf32, #tpu.memory_space<hbm>>, %arg7: memref<16x512xf32, #tpu.memory_space<hbm>>, %arg8: memref<192xf32, #tpu.memory_space<hbm>>, %arg9: memref<65536x128xf32, #tpu.memory_space<hbm>>, %arg10: memref<262144x128xf32, #tpu.memory_space<hbm>>, %arg11: memref<32x128xf32, #tpu.memory_space<hbm>>, %arg12: memref<4096xf32, #tpu.memory_space<vmem>>, %arg13: memref<4096xf32, #tpu.memory_space<vmem>>, %arg14: memref<4096xf32, #tpu.memory_space<vmem>>, %arg15: memref<4096xf32, #tpu.memory_space<vmem>>, %arg16: memref<4096xf32, #tpu.memory_space<vmem>>, %arg17: memref<4096xf32, #tpu.memory_space<vmem>>, %arg18: memref<4096xf32, #tpu.memory_space<vmem>>, %arg19: memref<256xf32, #tpu.memory_space<vmem>>, %arg20: memref<256xf32, #tpu.memory_space<vmem>>, %arg21: memref<256xf32, #tpu.memory_space<vmem>>, %arg22: memref<192xf32, #tpu.memory_space<vmem>>, %arg23: memref<32xi32, #tpu.memory_space<vmem>>, %arg24: memref<32x128xf32, #tpu.memory_space<vmem>>, %arg25: memref<128xf32, #tpu.memory_space<vmem>>, %arg26: memref<!tpu.dma_semaphore, #tpu.memory_space<semaphore_mem>>) attributes {dimension_semantics = [#tpu.dimension_semantics<core_parallel>, #tpu.dimension_semantics<subcore_parallel>], iteration_bounds = array<i64: 2, 16>, scalar_prefetch = 0 : i64, scratch_operands = 15 : i64, tpu.core_type = #tpu.core_type<sc_vector_subcore>, window_params = [{transform_indices = #map}, {transform_indices = #map}, {transform_indices = #map}, {transform_indices = #map}, {transform_indices = #map}, {transform_indices = #map}, {transform_indices = #map1}, {transform_indices = #map}, {transform_indices = #map}, {transform_indices = #map}]} {
    %mul3A = arith.constant 2 : i32
    %mul3A_0 = arith.muli %arg1, %mul3A : i32
    %add3A = arith.addi %mul3A_0, %arg0 : i32
    %jit3A = arith.constant 2 : i32
    %div3A = arith.divsi %add3A, %jit3A : i32
    %sign3A = arith.constant 0 : i32
    %sign3A_1 = arith.cmpi sgt, %add3A, %sign3A : i32
    %sign3A_2 = arith.extui %sign3A_1 : i1 to i32
    %sign3A_3 = arith.constant 0 : i32
    %sign3A_4 = arith.cmpi slt, %add3A, %sign3A_3 : i32
    %sign3A_5 = arith.extui %sign3A_4 : i1 to i32
    %sign3A_6 = arith.subi %sign3A_2, %sign3A_5 : i32
    %sign3A_7 = arith.constant 0 : i32
    %sign3A_8 = arith.cmpi sgt, %jit3A, %sign3A_7 : i32
    %sign3A_9 = arith.extui %sign3A_8 : i1 to i32
    %sign3A_10 = arith.constant 0 : i32
    %sign3A_11 = arith.cmpi slt, %jit3A, %sign3A_10 : i32
    %sign3A_12 = arith.extui %sign3A_11 : i1 to i32
    %sign3A_13 = arith.subi %sign3A_9, %sign3A_12 : i32
    %ne3A = arith.cmpi ne, %sign3A_6, %sign3A_13 : i32
    %rem3A = arith.remsi %add3A, %jit3A : i32
    %ne3A_14 = arith.constant 0 : i32
    %ne3A_15 = arith.cmpi ne, %rem3A, %ne3A_14 : i32
    %and3A = arith.andi %ne3A, %ne3A_15 : i1
    %sub3A = arith.constant 1 : i32
    %sub3A_16 = arith.subi %div3A, %sub3A : i32
    %select_n3A = arith.select %and3A, %sub3A_16, %div3A : i32
    %jit3A_17 = arith.constant 2 : i32
    %eq3A = arith.constant 0 : i32
    %eq3A_18 = arith.cmpi eq, %jit3A_17, %eq3A : i32
    %jit3A_19 = arith.constant 1 : i32
    %select_n3A_20 = arith.select %eq3A_18, %jit3A_19, %jit3A_17 : i32
    %rem3A_21 = arith.remsi %add3A, %select_n3A_20 : i32
    %ne3A_22 = arith.constant 0 : i32
    %ne3A_23 = arith.cmpi ne, %rem3A_21, %ne3A_22 : i32
    %lt3A = arith.constant 0 : i32
    %lt3A_24 = arith.cmpi slt, %rem3A_21, %lt3A : i32
    %lt3A_25 = arith.constant 0 : i32
    %lt3A_26 = arith.cmpi slt, %select_n3A_20, %lt3A_25 : i32
    %ne3A_27 = arith.xori %lt3A_24, %lt3A_26 : i1
    %and3A_28 = arith.andi %ne3A_27, %ne3A_23 : i1
    %add3A_29 = arith.addi %rem3A_21, %select_n3A_20 : i32
    %select_n3A_30 = arith.select %and3A_28, %add3A_29, %rem3A_21 : i32
    %mul3A_31 = arith.constant 256 : i32
    %mul3A_32 = arith.muli %select_n3A_30, %mul3A_31 : i32
    "tpu.region"() ({
      %run_scoped3A = tpu.sem_alloc : memref<!tpu.dma_semaphore, #tpu.memory_space<semaphore_mem>>
      %dma_start3A = arith.constant 0 : i32
      %dma_start3A_63 = tpu.memref_slice %arg2[%select_n3A, %dma_start3A] : memref<16x4096xf32, #tpu.memory_space<hbm>> -> memref<1x4096xf32, #tpu.memory_space<hbm>>
      %dma_start3A_64 = tpu.memref_squeeze %dma_start3A_63 : memref<1x4096xf32, #tpu.memory_space<hbm>> -> memref<4096xf32, #tpu.memory_space<hbm>>
      %dma_start3A_65 = arith.constant 0 : i32
      %dma_start3A_66 = tpu.memref_slice %arg2[%select_n3A, %dma_start3A_65] : memref<16x4096xf32, #tpu.memory_space<hbm>> -> memref<1x4096xf32, #tpu.memory_space<hbm>>
      %dma_start3A_67 = tpu.memref_squeeze %dma_start3A_66 : memref<1x4096xf32, #tpu.memory_space<hbm>> -> memref<4096xf32, #tpu.memory_space<hbm>>
      tpu.enqueue_dma source(%dma_start3A_67 : memref<4096xf32, #tpu.memory_space<hbm>>) target(%arg12 : memref<4096xf32, #tpu.memory_space<vmem>>) target_semaphore(%run_scoped3A : memref<!tpu.dma_semaphore, #tpu.memory_space<semaphore_mem>>)
      %dma_wait3A = arith.constant 0 : i32
      %dma_wait3A_68 = tpu.memref_slice %arg2[%select_n3A, %dma_wait3A] : memref<16x4096xf32, #tpu.memory_space<hbm>> -> memref<1x4096xf32, #tpu.memory_space<hbm>>
      %dma_wait3A_69 = tpu.memref_squeeze %dma_wait3A_68 : memref<1x4096xf32, #tpu.memory_space<hbm>> -> memref<4096xf32, #tpu.memory_space<hbm>>
      %dma_wait3A_70 = arith.constant 0 : i32
      %dma_wait3A_71 = tpu.memref_slice %arg2[%select_n3A, %dma_wait3A_70] : memref<16x4096xf32, #tpu.memory_space<hbm>> -> memref<1x4096xf32, #tpu.memory_space<hbm>>
      %dma_wait3A_72 = tpu.memref_squeeze %dma_wait3A_71 : memref<1x4096xf32, #tpu.memory_space<hbm>> -> memref<4096xf32, #tpu.memory_space<hbm>>
      tpu.wait_dma2 semaphore(%run_scoped3A : memref<!tpu.dma_semaphore, #tpu.memory_space<semaphore_mem>>) src(%dma_wait3A_72 : memref<4096xf32, #tpu.memory_space<hbm>>) dst(%arg12 : memref<4096xf32, #tpu.memory_space<vmem>>)
      tpu.yield
    }) : () -> ()
    "tpu.region"() ({
      %run_scoped3A = tpu.sem_alloc : memref<!tpu.dma_semaphore, #tpu.memory_space<semaphore_mem>>
      %dma_start3A = arith.constant 0 : i32
      %dma_start3A_63 = tpu.memref_slice %arg3[%select_n3A, %dma_start3A] : memref<16x4096xf32, #tpu.memory_space<hbm>> -> memref<1x4096xf32, #tpu.memory_space<hbm>>
      %dma_start3A_64 = tpu.memref_squeeze %dma_start3A_63 : memref<1x4096xf32, #tpu.memory_space<hbm>> -> memref<4096xf32, #tpu.memory_space<hbm>>
      %dma_start3A_65 = arith.constant 0 : i32
      %dma_start3A_66 = tpu.memref_slice %arg3[%select_n3A, %dma_start3A_65] : memref<16x4096xf32, #tpu.memory_space<hbm>> -> memref<1x4096xf32, #tpu.memory_space<hbm>>
      %dma_start3A_67 = tpu.memref_squeeze %dma_start3A_66 : memref<1x4096xf32, #tpu.memory_space<hbm>> -> memref<4096xf32, #tpu.memory_space<hbm>>
      tpu.enqueue_dma source(%dma_start3A_67 : memref<4096xf32, #tpu.memory_space<hbm>>) target(%arg13 : memref<4096xf32, #tpu.memory_space<vmem>>) target_semaphore(%run_scoped3A : memref<!tpu.dma_semaphore, #tpu.memory_space<semaphore_mem>>)
      %dma_wait3A = arith.constant 0 : i32
      %dma_wait3A_68 = tpu.memref_slice %arg3[%select_n3A, %dma_wait3A] : memref<16x4096xf32, #tpu.memory_space<hbm>> -> memref<1x4096xf32, #tpu.memory_space<hbm>>
      %dma_wait3A_69 = tpu.memref_squeeze %dma_wait3A_68 : memref<1x4096xf32, #tpu.memory_space<hbm>> -> memref<4096xf32, #tpu.memory_space<hbm>>
      %dma_wait3A_70 = arith.constant 0 : i32
      %dma_wait3A_71 = tpu.memref_slice %arg3[%select_n3A, %dma_wait3A_70] : memref<16x4096xf32, #tpu.memory_space<hbm>> -> memref<1x4096xf32, #tpu.memory_space<hbm>>
      %dma_wait3A_72 = tpu.memref_squeeze %dma_wait3A_71 : memref<1x4096xf32, #tpu.memory_space<hbm>> -> memref<4096xf32, #tpu.memory_space<hbm>>
      tpu.wait_dma2 semaphore(%run_scoped3A : memref<!tpu.dma_semaphore, #tpu.memory_space<semaphore_mem>>) src(%dma_wait3A_72 : memref<4096xf32, #tpu.memory_space<hbm>>) dst(%arg13 : memref<4096xf32, #tpu.memory_space<vmem>>)
      tpu.yield
    }) : () -> ()
    "tpu.region"() ({
      %run_scoped3A = tpu.sem_alloc : memref<!tpu.dma_semaphore, #tpu.memory_space<semaphore_mem>>
      %dma_start3A = arith.constant 0 : i32
      %dma_start3A_63 = tpu.memref_slice %arg4[%select_n3A, %dma_start3A] : memref<16x4096xf32, #tpu.memory_space<hbm>> -> memref<1x4096xf32, #tpu.memory_space<hbm>>
      %dma_start3A_64 = tpu.memref_squeeze %dma_start3A_63 : memref<1x4096xf32, #tpu.memory_space<hbm>> -> memref<4096xf32, #tpu.memory_space<hbm>>
      %dma_start3A_65 = arith.constant 0 : i32
      %dma_start3A_66 = tpu.memref_slice %arg4[%select_n3A, %dma_start3A_65] : memref<16x4096xf32, #tpu.memory_space<hbm>> -> memref<1x4096xf32, #tpu.memory_space<hbm>>
      %dma_start3A_67 = tpu.memref_squeeze %dma_start3A_66 : memref<1x4096xf32, #tpu.memory_space<hbm>> -> memref<4096xf32, #tpu.memory_space<hbm>>
      tpu.enqueue_dma source(%dma_start3A_67 : memref<4096xf32, #tpu.memory_space<hbm>>) target(%arg14 : memref<4096xf32, #tpu.memory_space<vmem>>) target_semaphore(%run_scoped3A : memref<!tpu.dma_semaphore, #tpu.memory_space<semaphore_mem>>)
      %dma_wait3A = arith.constant 0 : i32
      %dma_wait3A_68 = tpu.memref_slice %arg4[%select_n3A, %dma_wait3A] : memref<16x4096xf32, #tpu.memory_space<hbm>> -> memref<1x4096xf32, #tpu.memory_space<hbm>>
      %dma_wait3A_69 = tpu.memref_squeeze %dma_wait3A_68 : memref<1x4096xf32, #tpu.memory_space<hbm>> -> memref<4096xf32, #tpu.memory_space<hbm>>
      %dma_wait3A_70 = arith.constant 0 : i32
      %dma_wait3A_71 = tpu.memref_slice %arg4[%select_n3A, %dma_wait3A_70] : memref<16x4096xf32, #tpu.memory_space<hbm>> -> memref<1x4096xf32, #tpu.memory_space<hbm>>
      %dma_wait3A_72 = tpu.memref_squeeze %dma_wait3A_71 : memref<1x4096xf32, #tpu.memory_space<hbm>> -> memref<4096xf32, #tpu.memory_space<hbm>>
      tpu.wait_dma2 semaphore(%run_scoped3A : memref<!tpu.dma_semaphore, #tpu.memory_space<semaphore_mem>>) src(%dma_wait3A_72 : memref<4096xf32, #tpu.memory_space<hbm>>) dst(%arg14 : memref<4096xf32, #tpu.memory_space<vmem>>)
      tpu.yield
    }) : () -> ()
    "tpu.region"() ({
      %run_scoped3A = tpu.sem_alloc : memref<!tpu.dma_semaphore, #tpu.memory_space<semaphore_mem>>
      %dma_start3A = tpu.memref_slice %arg5[%select_n3A, %mul3A_32] : memref<16x512xf32, #tpu.memory_space<hbm>> -> memref<1x256xf32, #tpu.memory_space<hbm>>
      %dma_start3A_63 = tpu.memref_squeeze %dma_start3A : memref<1x256xf32, #tpu.memory_space<hbm>> -> memref<256xf32, #tpu.memory_space<hbm>>
      %dma_start3A_64 = tpu.memref_slice %arg5[%select_n3A, %mul3A_32] : memref<16x512xf32, #tpu.memory_space<hbm>> -> memref<1x256xf32, #tpu.memory_space<hbm>>
      %dma_start3A_65 = tpu.memref_squeeze %dma_start3A_64 : memref<1x256xf32, #tpu.memory_space<hbm>> -> memref<256xf32, #tpu.memory_space<hbm>>
      tpu.enqueue_dma source(%dma_start3A_65 : memref<256xf32, #tpu.memory_space<hbm>>) target(%arg19 : memref<256xf32, #tpu.memory_space<vmem>>) target_semaphore(%run_scoped3A : memref<!tpu.dma_semaphore, #tpu.memory_space<semaphore_mem>>)
      %dma_wait3A = tpu.memref_slice %arg5[%select_n3A, %mul3A_32] : memref<16x512xf32, #tpu.memory_space<hbm>> -> memref<1x256xf32, #tpu.memory_space<hbm>>
      %dma_wait3A_66 = tpu.memref_squeeze %dma_wait3A : memref<1x256xf32, #tpu.memory_space<hbm>> -> memref<256xf32, #tpu.memory_space<hbm>>
      %dma_wait3A_67 = tpu.memref_slice %arg5[%select_n3A, %mul3A_32] : memref<16x512xf32, #tpu.memory_space<hbm>> -> memref<1x256xf32, #tpu.memory_space<hbm>>
      %dma_wait3A_68 = tpu.memref_squeeze %dma_wait3A_67 : memref<1x256xf32, #tpu.memory_space<hbm>> -> memref<256xf32, #tpu.memory_space<hbm>>
      tpu.wait_dma2 semaphore(%run_scoped3A : memref<!tpu.dma_semaphore, #tpu.memory_space<semaphore_mem>>) src(%dma_wait3A_68 : memref<256xf32, #tpu.memory_space<hbm>>) dst(%arg19 : memref<256xf32, #tpu.memory_space<vmem>>)
      tpu.yield
    }) : () -> ()
    "tpu.region"() ({
      %run_scoped3A = tpu.sem_alloc : memref<!tpu.dma_semaphore, #tpu.memory_space<semaphore_mem>>
      %dma_start3A = tpu.memref_slice %arg6[%select_n3A, %mul3A_32] : memref<16x512xf32, #tpu.memory_space<hbm>> -> memref<1x256xf32, #tpu.memory_space<hbm>>
      %dma_start3A_63 = tpu.memref_squeeze %dma_start3A : memref<1x256xf32, #tpu.memory_space<hbm>> -> memref<256xf32, #tpu.memory_space<hbm>>
      %dma_start3A_64 = tpu.memref_slice %arg6[%select_n3A, %mul3A_32] : memref<16x512xf32, #tpu.memory_space<hbm>> -> memref<1x256xf32, #tpu.memory_space<hbm>>
      %dma_start3A_65 = tpu.memref_squeeze %dma_start3A_64 : memref<1x256xf32, #tpu.memory_space<hbm>> -> memref<256xf32, #tpu.memory_space<hbm>>
      tpu.enqueue_dma source(%dma_start3A_65 : memref<256xf32, #tpu.memory_space<hbm>>) target(%arg20 : memref<256xf32, #tpu.memory_space<vmem>>) target_semaphore(%run_scoped3A : memref<!tpu.dma_semaphore, #tpu.memory_space<semaphore_mem>>)
      %dma_wait3A = tpu.memref_slice %arg6[%select_n3A, %mul3A_32] : memref<16x512xf32, #tpu.memory_space<hbm>> -> memref<1x256xf32, #tpu.memory_space<hbm>>
      %dma_wait3A_66 = tpu.memref_squeeze %dma_wait3A : memref<1x256xf32, #tpu.memory_space<hbm>> -> memref<256xf32, #tpu.memory_space<hbm>>
      %dma_wait3A_67 = tpu.memref_slice %arg6[%select_n3A, %mul3A_32] : memref<16x512xf32, #tpu.memory_space<hbm>> -> memref<1x256xf32, #tpu.memory_space<hbm>>
      %dma_wait3A_68 = tpu.memref_squeeze %dma_wait3A_67 : memref<1x256xf32, #tpu.memory_space<hbm>> -> memref<256xf32, #tpu.memory_space<hbm>>
      tpu.wait_dma2 semaphore(%run_scoped3A : memref<!tpu.dma_semaphore, #tpu.memory_space<semaphore_mem>>) src(%dma_wait3A_68 : memref<256xf32, #tpu.memory_space<hbm>>) dst(%arg20 : memref<256xf32, #tpu.memory_space<vmem>>)
      tpu.yield
    }) : () -> ()
    "tpu.region"() ({
      %run_scoped3A = tpu.sem_alloc : memref<!tpu.dma_semaphore, #tpu.memory_space<semaphore_mem>>
      %dma_start3A = tpu.memref_slice %arg7[%select_n3A, %mul3A_32] : memref<16x512xf32, #tpu.memory_space<hbm>> -> memref<1x256xf32, #tpu.memory_space<hbm>>
      %dma_start3A_63 = tpu.memref_squeeze %dma_start3A : memref<1x256xf32, #tpu.memory_space<hbm>> -> memref<256xf32, #tpu.memory_space<hbm>>
      %dma_start3A_64 = tpu.memref_slice %arg7[%select_n3A, %mul3A_32] : memref<16x512xf32, #tpu.memory_space<hbm>> -> memref<1x256xf32, #tpu.memory_space<hbm>>
      %dma_start3A_65 = tpu.memref_squeeze %dma_start3A_64 : memref<1x256xf32, #tpu.memory_space<hbm>> -> memref<256xf32, #tpu.memory_space<hbm>>
      tpu.enqueue_dma source(%dma_start3A_65 : memref<256xf32, #tpu.memory_space<hbm>>) target(%arg21 : memref<256xf32, #tpu.memory_space<vmem>>) target_semaphore(%run_scoped3A : memref<!tpu.dma_semaphore, #tpu.memory_space<semaphore_mem>>)
      %dma_wait3A = tpu.memref_slice %arg7[%select_n3A, %mul3A_32] : memref<16x512xf32, #tpu.memory_space<hbm>> -> memref<1x256xf32, #tpu.memory_space<hbm>>
      %dma_wait3A_66 = tpu.memref_squeeze %dma_wait3A : memref<1x256xf32, #tpu.memory_space<hbm>> -> memref<256xf32, #tpu.memory_space<hbm>>
      %dma_wait3A_67 = tpu.memref_slice %arg7[%select_n3A, %mul3A_32] : memref<16x512xf32, #tpu.memory_space<hbm>> -> memref<1x256xf32, #tpu.memory_space<hbm>>
      %dma_wait3A_68 = tpu.memref_squeeze %dma_wait3A_67 : memref<1x256xf32, #tpu.memory_space<hbm>> -> memref<256xf32, #tpu.memory_space<hbm>>
      tpu.wait_dma2 semaphore(%run_scoped3A : memref<!tpu.dma_semaphore, #tpu.memory_space<semaphore_mem>>) src(%dma_wait3A_68 : memref<256xf32, #tpu.memory_space<hbm>>) dst(%arg21 : memref<256xf32, #tpu.memory_space<vmem>>)
      tpu.yield
    }) : () -> ()
    "tpu.region"() ({
      %run_scoped3A = tpu.sem_alloc : memref<!tpu.dma_semaphore, #tpu.memory_space<semaphore_mem>>
      tpu.enqueue_dma source(%arg8 : memref<192xf32, #tpu.memory_space<hbm>>) target(%arg22 : memref<192xf32, #tpu.memory_space<vmem>>) target_semaphore(%run_scoped3A : memref<!tpu.dma_semaphore, #tpu.memory_space<semaphore_mem>>)
      tpu.wait_dma2 semaphore(%run_scoped3A : memref<!tpu.dma_semaphore, #tpu.memory_space<semaphore_mem>>) src(%arg8 : memref<192xf32, #tpu.memory_space<hbm>>) dst(%arg22 : memref<192xf32, #tpu.memory_space<vmem>>)
      tpu.yield
    }) : () -> ()
    %scan3A = arith.constant 0 : i32
    %scan3A_33 = arith.constant 0 : i32
    %scan3A_34 = arith.constant 256 : i32
    %scan3A_35 = arith.addi %scan3A_33, %scan3A_34 : i32
    %scan3A_36 = arith.constant 1 : i32
    scf.for %scan3A_63 = %scan3A_33 to %scan3A_35 step %scan3A_36  : i32 {
      %mul3A_64 = arith.constant 16 : i32
      %mul3A_65 = arith.muli %scan3A_63, %mul3A_64 : i32
      %get3A = arith.index_cast %mul3A_65 : i32 to index
      %get3A_66 = tpu.vector_load %arg12[%get3A] {strides = array<i32>} : memref<4096xf32, #tpu.memory_space<vmem>>, vector<16xf32>,
      %get3A_67 = arith.index_cast %mul3A_65 : i32 to index
      %get3A_68 = tpu.vector_load %arg13[%get3A_67] {strides = array<i32>} : memref<4096xf32, #tpu.memory_space<vmem>>, vector<16xf32>,
      %get3A_69 = arith.index_cast %mul3A_65 : i32 to index
      %get3A_70 = tpu.vector_load %arg14[%get3A_69] {strides = array<i32>} : memref<4096xf32, #tpu.memory_space<vmem>>, vector<16xf32>,
      %mul3A_71 = arith.mulf %get3A_66, %get3A_66 : vector<16xf32>
      %mul3A_72 = arith.mulf %get3A_68, %get3A_68 : vector<16xf32>
      %add3A_73 = arith.addf %mul3A_71, %mul3A_72 : vector<16xf32>
      %mul3A_74 = arith.mulf %get3A_70, %get3A_70 : vector<16xf32>
      %add3A_75 = arith.addf %add3A_73, %mul3A_74 : vector<16xf32>
      %swap3A_76 = arith.index_cast %mul3A_65 : i32 to index
      %swap3A_77 = tpu.vector_load %arg15[%swap3A_76] {strides = array<i32>} : memref<4096xf32, #tpu.memory_space<vmem>>, vector<16xf32>,
      tpu.vector_store %arg15[%swap3A_76], %add3A_75 {strides = array<i32>} : memref<4096xf32, #tpu.memory_space<vmem>>, vector<16xf32>,
      %bitcast3A = vector.bitcast %get3A_66 : vector<16xf32> to vector<16xi32>
      %add3A_78 = arith.constant 32767 : i32
      %add3A_79 = vector.broadcast %add3A_78 : i32 to vector<16xi32>
      %add3A_80 = arith.addi %bitcast3A, %add3A_79 : vector<16xi32>
      %shift_right_logical3A = arith.constant 16 : i32
      %shift_right_logical3A_81 = vector.broadcast %shift_right_logical3A : i32 to vector<16xi32>
      %shift_right_logical3A_82 = arith.shrui %bitcast3A, %shift_right_logical3A_81 : vector<16xi32>
      %and3A_83 = arith.constant 1 : i32
      %and3A_84 = vector.broadcast %and3A_83 : i32 to vector<16xi32>
      %and3A_85 = arith.andi %shift_right_logical3A_82, %and3A_84 : vector<16xi32>
      %add3A_86 = arith.addi %add3A_80, %and3A_85 : vector<16xi32>
      %and3A_87 = arith.constant -65536 : i32
      %and3A_88 = vector.broadcast %and3A_87 : i32 to vector<16xi32>
      %and3A_89 = arith.andi %add3A_86, %and3A_88 : vector<16xi32>
      %bitcast3A_90 = vector.bitcast %and3A_89 : vector<16xi32> to vector<16xf32>
      %swap3A_91 = arith.index_cast %mul3A_65 : i32 to index
      %swap3A_92 = tpu.vector_load %arg16[%swap3A_91] {strides = array<i32>} : memref<4096xf32, #tpu.memory_space<vmem>>, vector<16xf32>,
      tpu.vector_store %arg16[%swap3A_91], %bitcast3A_90 {strides = array<i32>} : memref<4096xf32, #tpu.memory_space<vmem>>, vector<16xf32>,
      %bitcast3A_93 = vector.bitcast %get3A_68 : vector<16xf32> to vector<16xi32>
      %add3A_94 = arith.constant 32767 : i32
      %add3A_95 = vector.broadcast %add3A_94 : i32 to vector<16xi32>
      %add3A_96 = arith.addi %bitcast3A_93, %add3A_95 : vector<16xi32>
      %shift_right_logical3A_97 = arith.constant 16 : i32
      %shift_right_logical3A_98 = vector.broadcast %shift_right_logical3A_97 : i32 to vector<16xi32>
      %shift_right_logical3A_99 = arith.shrui %bitcast3A_93, %shift_right_logical3A_98 : vector<16xi32>
      %and3A_100 = arith.constant 1 : i32
      %and3A_101 = vector.broadcast %and3A_100 : i32 to vector<16xi32>
      %and3A_102 = arith.andi %shift_right_logical3A_99, %and3A_101 : vector<16xi32>
      %add3A_103 = arith.addi %add3A_96, %and3A_102 : vector<16xi32>
      %and3A_104 = arith.constant -65536 : i32
      %and3A_105 = vector.broadcast %and3A_104 : i32 to vector<16xi32>
      %and3A_106 = arith.andi %add3A_103, %and3A_105 : vector<16xi32>
      %bitcast3A_107 = vector.bitcast %and3A_106 : vector<16xi32> to vector<16xf32>
      %swap3A_108 = arith.index_cast %mul3A_65 : i32 to index
      %swap3A_109 = tpu.vector_load %arg17[%swap3A_108] {strides = array<i32>} : memref<4096xf32, #tpu.memory_space<vmem>>, vector<16xf32>,
      tpu.vector_store %arg17[%swap3A_108], %bitcast3A_107 {strides = array<i32>} : memref<4096xf32, #tpu.memory_space<vmem>>, vector<16xf32>,
      %bitcast3A_110 = vector.bitcast %get3A_70 : vector<16xf32> to vector<16xi32>
      %add3A_111 = arith.constant 32767 : i32
      %add3A_112 = vector.broadcast %add3A_111 : i32 to vector<16xi32>
      %add3A_113 = arith.addi %bitcast3A_110, %add3A_112 : vector<16xi32>
      %shift_right_logical3A_114 = arith.constant 16 : i32
      %shift_right_logical3A_115 = vector.broadcast %shift_right_logical3A_114 : i32 to vector<16xi32>
      %shift_right_logical3A_116 = arith.shrui %bitcast3A_110, %shift_right_logical3A_115 : vector<16xi32>
      %and3A_117 = arith.constant 1 : i32
      %and3A_118 = vector.broadcast %and3A_117 : i32 to vector<16xi32>
      %and3A_119 = arith.andi %shift_right_logical3A_116, %and3A_118 : vector<16xi32>
      %add3A_120 = arith.addi %add3A_113, %and3A_119 : vector<16xi32>
      %and3A_121 = arith.constant -65536 : i32
      %and3A_122 = vector.broadcast %and3A_121 : i32 to vector<16xi32>
      %and3A_123 = arith.andi %add3A_120, %and3A_122 : vector<16xi32>
      %bitcast3A_124 = vector.bitcast %and3A_123 : vector<16xi32> to vector<16xf32>
      %swap3A_125 = arith.index_cast %mul3A_65 : i32 to index
      %swap3A_126 = tpu.vector_load %arg18[%swap3A_125] {strides = array<i32>} : memref<4096xf32, #tpu.memory_space<vmem>>, vector<16xf32>,
      tpu.vector_store %arg18[%swap3A_125], %bitcast3A_124 {strides = array<i32>} : memref<4096xf32, #tpu.memory_space<vmem>>, vector<16xf32>,
    }
    %scan3A_37 = arith.constant 256 : i32
    %mul3A_38 = arith.constant 4096 : i32
    %mul3A_39 = arith.muli %select_n3A, %mul3A_38 : i32
    %broadcast_in_dim3A = vector.broadcast %mul3A_39 : i32 to vector<16xi32>
    %broadcast_in_dim3A_40 = arith.constant 0.000000e+00 : f32
    %broadcast_in_dim3A_41 = vector.broadcast %broadcast_in_dim3A_40 : f32 to vector<16xf32>
    %scan3A_42 = arith.constant 0 : i32
    %scan3A_43 = arith.constant 256 : i32
    %scan3A_44 = arith.addi %scan3A_42, %scan3A_43 : i32
    %scan3A_45 = arith.constant 1 : i32
    %scan3A_46:8 = scf.for %scan3A_63 = %scan3A_42 to %scan3A_44 step %scan3A_45 iter_args(%scan3A_64 = %broadcast_in_dim3A_41, %scan3A_65 = %broadcast_in_dim3A_41, %scan3A_66 = %broadcast_in_dim3A_41, %scan3A_67 = %broadcast_in_dim3A_41, %scan3A_68 = %broadcast_in_dim3A_41, %scan3A_69 = %broadcast_in_dim3A_41, %scan3A_70 = %broadcast_in_dim3A_41, %scan3A_71 = %broadcast_in_dim3A_41) -> (vector<16xf32>, vector<16xf32>, vector<16xf32>, vector<16xf32>, vector<16xf32>, vector<16xf32>, vector<16xf32>, vector<16xf32>)  : i32 {
      %broadcast_in_dim3A_72 = vector.broadcast %scan3A_63 : i32 to vector<16xi32>
      %gather3A = tpu.vector_load_idx %arg19[%broadcast_in_dim3A_72] : memref<256xf32, #tpu.memory_space<vmem>>[vector<16xi32>], vector<16xf32>,
      %broadcast_in_dim3A_73 = vector.broadcast %scan3A_63 : i32 to vector<16xi32>
      %gather3A_74 = tpu.vector_load_idx %arg20[%broadcast_in_dim3A_73] : memref<256xf32, #tpu.memory_space<vmem>>[vector<16xi32>], vector<16xf32>,
      %broadcast_in_dim3A_75 = vector.broadcast %scan3A_63 : i32 to vector<16xi32>
      %gather3A_76 = tpu.vector_load_idx %arg21[%broadcast_in_dim3A_75] : memref<256xf32, #tpu.memory_space<vmem>>[vector<16xi32>], vector<16xf32>,
      %mul3A_77 = arith.mulf %gather3A, %gather3A : vector<16xf32>
      %mul3A_78 = arith.mulf %gather3A_74, %gather3A_74 : vector<16xf32>
      %add3A_79 = arith.addf %mul3A_77, %mul3A_78 : vector<16xf32>
      %mul3A_80 = arith.mulf %gather3A_76, %gather3A_76 : vector<16xf32>
      %add3A_81 = arith.addf %add3A_79, %mul3A_80 : vector<16xf32>
      %bitcast3A = vector.bitcast %gather3A : vector<16xf32> to vector<16xi32>
      %add3A_82 = arith.constant 32767 : i32
      %add3A_83 = vector.broadcast %add3A_82 : i32 to vector<16xi32>
      %add3A_84 = arith.addi %bitcast3A, %add3A_83 : vector<16xi32>
      %shift_right_logical3A = arith.constant 16 : i32
      %shift_right_logical3A_85 = vector.broadcast %shift_right_logical3A : i32 to vector<16xi32>
      %shift_right_logical3A_86 = arith.shrui %bitcast3A, %shift_right_logical3A_85 : vector<16xi32>
      %and3A_87 = arith.constant 1 : i32
      %and3A_88 = vector.broadcast %and3A_87 : i32 to vector<16xi32>
      %and3A_89 = arith.andi %shift_right_logical3A_86, %and3A_88 : vector<16xi32>
      %add3A_90 = arith.addi %add3A_84, %and3A_89 : vector<16xi32>
      %and3A_91 = arith.constant -65536 : i32
      %and3A_92 = vector.broadcast %and3A_91 : i32 to vector<16xi32>
      %and3A_93 = arith.andi %add3A_90, %and3A_92 : vector<16xi32>
      %bitcast3A_94 = vector.bitcast %and3A_93 : vector<16xi32> to vector<16xf32>
      %bitcast3A_95 = vector.bitcast %gather3A_74 : vector<16xf32> to vector<16xi32>
      %add3A_96 = arith.constant 32767 : i32
      %add3A_97 = vector.broadcast %add3A_96 : i32 to vector<16xi32>
      %add3A_98 = arith.addi %bitcast3A_95, %add3A_97 : vector<16xi32>
      %shift_right_logical3A_99 = arith.constant 16 : i32
      %shift_right_logical3A_100 = vector.broadcast %shift_right_logical3A_99 : i32 to vector<16xi32>
      %shift_right_logical3A_101 = arith.shrui %bitcast3A_95, %shift_right_logical3A_100 : vector<16xi32>
      %and3A_102 = arith.constant 1 : i32
      %and3A_103 = vector.broadcast %and3A_102 : i32 to vector<16xi32>
      %and3A_104 = arith.andi %shift_right_logical3A_101, %and3A_103 : vector<16xi32>
      %add3A_105 = arith.addi %add3A_98, %and3A_104 : vector<16xi32>
      %and3A_106 = arith.constant -65536 : i32
      %and3A_107 = vector.broadcast %and3A_106 : i32 to vector<16xi32>
      %and3A_108 = arith.andi %add3A_105, %and3A_107 : vector<16xi32>
      %bitcast3A_109 = vector.bitcast %and3A_108 : vector<16xi32> to vector<16xf32>
      %bitcast3A_110 = vector.bitcast %gather3A_76 : vector<16xf32> to vector<16xi32>
      %add3A_111 = arith.constant 32767 : i32
      %add3A_112 = vector.broadcast %add3A_111 : i32 to vector<16xi32>
      %add3A_113 = arith.addi %bitcast3A_110, %add3A_112 : vector<16xi32>
      %shift_right_logical3A_114 = arith.constant 16 : i32
      %shift_right_logical3A_115 = vector.broadcast %shift_right_logical3A_114 : i32 to vector<16xi32>
      %shift_right_logical3A_116 = arith.shrui %bitcast3A_110, %shift_right_logical3A_115 : vector<16xi32>
      %and3A_117 = arith.constant 1 : i32
      %and3A_118 = vector.broadcast %and3A_117 : i32 to vector<16xi32>
      %and3A_119 = arith.andi %shift_right_logical3A_116, %and3A_118 : vector<16xi32>
      %add3A_120 = arith.addi %add3A_113, %and3A_119 : vector<16xi32>
      %and3A_121 = arith.constant -65536 : i32
      %and3A_122 = vector.broadcast %and3A_121 : i32 to vector<16xi32>
      %and3A_123 = arith.andi %add3A_120, %and3A_122 : vector<16xi32>
      %bitcast3A_124 = vector.bitcast %and3A_123 : vector<16xi32> to vector<16xf32>
      %broadcast_in_dim3A_125 = arith.constant 1.000000e+30 : f32
      %broadcast_in_dim3A_126 = vector.broadcast %broadcast_in_dim3A_125 : f32 to vector<16xf32>
      %broadcast_in_dim3A_127 = arith.constant 0 : i32
      %broadcast_in_dim3A_128 = vector.broadcast %broadcast_in_dim3A_127 : i32 to vector<16xi32>
      %broadcast_in_dim3A_129 = arith.constant 0 : i32
      %broadcast_in_dim3A_130 = vector.broadcast %broadcast_in_dim3A_129 : i32 to vector<16xi32>
      %scan3A_131 = arith.constant 0 : i32
      %scan3A_132 = arith.constant 256 : i32
      %scan3A_133 = arith.addi %scan3A_131, %scan3A_132 : i32
      %scan3A_134 = arith.constant 1 : i32
      %scan3A_135:3 = scf.for %scan3A_191 = %scan3A_131 to %scan3A_133 step %scan3A_134 iter_args(%scan3A_192 = %broadcast_in_dim3A_126, %scan3A_193 = %broadcast_in_dim3A_128, %scan3A_194 = %broadcast_in_dim3A_130) -> (vector<16xf32>, vector<16xi32>, vector<16xi32>)  : i32 {
        %mul3A_195 = arith.constant 16 : i32
        %mul3A_196 = arith.muli %scan3A_191, %mul3A_195 : i32
        %get3A_197 = arith.index_cast %mul3A_196 : i32 to index
        %get3A_198 = tpu.vector_load %arg16[%get3A_197] {strides = array<i32>} : memref<4096xf32, #tpu.memory_space<vmem>>, vector<16xf32>,
        %mul3A_199 = arith.mulf %bitcast3A_94, %get3A_198 : vector<16xf32>
        %get3A_200 = arith.index_cast %mul3A_196 : i32 to index
        %get3A_201 = tpu.vector_load %arg17[%get3A_200] {strides = array<i32>} : memref<4096xf32, #tpu.memory_space<vmem>>, vector<16xf32>,
        %mul3A_202 = arith.mulf %bitcast3A_109, %get3A_201 : vector<16xf32>
        %add3A_203 = arith.addf %mul3A_199, %mul3A_202 : vector<16xf32>
        %get3A_204 = arith.index_cast %mul3A_196 : i32 to index
        %get3A_205 = tpu.vector_load %arg18[%get3A_204] {strides = array<i32>} : memref<4096xf32, #tpu.memory_space<vmem>>, vector<16xf32>,
        %mul3A_206 = arith.mulf %bitcast3A_124, %get3A_205 : vector<16xf32>
        %add3A_207 = arith.addf %add3A_203, %mul3A_206 : vector<16xf32>
        %get3A_208 = arith.index_cast %mul3A_196 : i32 to index
        %get3A_209 = tpu.vector_load %arg15[%get3A_208] {strides = array<i32>} : memref<4096xf32, #tpu.memory_space<vmem>>, vector<16xf32>,
        %add3A_210 = arith.addf %add3A_81, %get3A_209 : vector<16xf32>
        %mul3A_211 = arith.constant 2.000000e+00 : f32
        %mul3A_212 = vector.broadcast %mul3A_211 : f32 to vector<16xf32>
        %mul3A_213 = arith.mulf %mul3A_212, %add3A_207 : vector<16xf32>
        %sub3A_214 = arith.subf %add3A_210, %mul3A_213 : vector<16xf32>
        %max3A = arith.constant 0.000000e+00 : f32
        %max3A_215 = vector.broadcast %max3A : f32 to vector<16xf32>
        %max3A_216 = arith.maximumf %sub3A_214, %max3A_215 : vector<16xf32>
        %lt3A_217 = arith.constant 0.0255999975 : f32
        %lt3A_218 = vector.broadcast %lt3A_217 : f32 to vector<16xf32>
        %lt3A_219 = arith.cmpf olt, %max3A_216, %lt3A_218 : vector<16xf32>
        %iota3A_220 = tpu.iota {dimensions = array<i32: 0>} : vector<16xi32>
        %mul3A_221 = arith.constant 16 : i32
        %mul3A_222 = arith.muli %scan3A_191, %mul3A_221 : i32
        %add3A_223 = vector.broadcast %mul3A_222 : i32 to vector<16xi32>
        %add3A_224 = arith.addi %iota3A_220, %add3A_223 : vector<16xi32>
        %jit3A_225 = arith.constant 1 : i32
        %jit3A_226 = arith.constant 0 : i32
        %broadcast_in_dim3A_227 = vector.broadcast %jit3A_225 : i32 to vector<16xi32>
        %broadcast_in_dim3A_228 = vector.broadcast %jit3A_226 : i32 to vector<16xi32>
        %select_n3A_229 = arith.select %lt3A_219, %broadcast_in_dim3A_227, %broadcast_in_dim3A_228 : vector<16xi1>, vector<16xi32>
        %broadcast_in_dim3A_230 = arith.constant true
        %broadcast_in_dim3A_231 = vector.broadcast %broadcast_in_dim3A_230 : i1 to vector<16xi1>
        %masked_cumsum3A = tpu.scan <sum>, %select_n3A_229 masked %broadcast_in_dim3A_231 : vector<16xi32>, vector<16xi1> -> vector<16xi32>
        %add3A_232 = arith.addi %scan3A_194, %masked_cumsum3A : vector<16xi32>
        %sub3A_233 = arith.constant 1 : i32
        %sub3A_234 = vector.broadcast %sub3A_233 : i32 to vector<16xi32>
        %sub3A_235 = arith.subi %add3A_232, %sub3A_234 : vector<16xi32>
        %lt3A_236 = arith.constant 32 : i32
        %lt3A_237 = vector.broadcast %lt3A_236 : i32 to vector<16xi32>
        %lt3A_238 = arith.cmpi slt, %sub3A_235, %lt3A_237 : vector<16xi32>
        %and3A_239 = arith.andi %lt3A_219, %lt3A_238 : vector<16xi1>
        tpu.vector_store_idx %arg23[%sub3A_235], %add3A_224 masked %and3A_239 : memref<32xi32, #tpu.memory_space<vmem>>[vector<16xi32>], vector<16xi32>, vector<16xi1>
        %all_reduce_population_count3A = tpu.all_reduce %lt3A_219 {dim = 0 : i64, kind = #tpu.reduction_kind<sum>} : vector<16xi1> -> vector<16xi32>
        %add3A_240 = arith.addi %scan3A_194, %all_reduce_population_count3A : vector<16xi32>
        %lt3A_241 = arith.cmpf olt, %max3A_216, %scan3A_192 : vector<16xf32>
        %select_n3A_242 = arith.select %lt3A_241, %max3A_216, %scan3A_192 : vector<16xi1>, vector<16xf32>
        %select_n3A_243 = arith.select %lt3A_241, %add3A_224, %scan3A_193 : vector<16xi1>, vector<16xi32>
        scf.yield %select_n3A_242, %select_n3A_243, %add3A_240 : vector<16xf32>, vector<16xi32>, vector<16xi32>
      }
      %scan3A_136 = arith.constant 256 : i32
      %reduce_min3A = arith.constant true
      %reduce_min3A_137 = vector.broadcast %reduce_min3A : i1 to vector<16xi1>
      %reduce_min3A_138 = tpu.scan <min>, %scan3A_135#0 masked %reduce_min3A_137 : vector<16xf32>, vector<16xi1> -> vector<16xf32>
      %reduce_min3A_139 = vector.extract %reduce_min3A_138[15] : f32 from vector<16xf32>
      %eq3A_140 = vector.broadcast %reduce_min3A_139 : f32 to vector<16xf32>
      %eq3A_141 = arith.cmpf oeq, %scan3A_135#0, %eq3A_140 : vector<16xf32>
      %jit3A_142 = arith.constant 1073741824 : i32
      %broadcast_in_dim3A_143 = vector.broadcast %jit3A_142 : i32 to vector<16xi32>
      %select_n3A_144 = arith.select %eq3A_141, %scan3A_135#1, %broadcast_in_dim3A_143 : vector<16xi1>, vector<16xi32>
      %reduce_min3A_145 = arith.constant true
      %reduce_min3A_146 = vector.broadcast %reduce_min3A_145 : i1 to vector<16xi1>
      %reduce_min3A_147 = arith.constant -2147483648 : i32
      %reduce_min3A_148 = vector.broadcast %reduce_min3A_147 : i32 to vector<16xi32>
      %reduce_min3A_149 = arith.xori %select_n3A_144, %reduce_min3A_148 : vector<16xi32>
      %reduce_min3A_150 = tpu.scan <min>, %reduce_min3A_149 masked %reduce_min3A_146 : vector<16xi32>, vector<16xi1> -> vector<16xi32>
      %reduce_min3A_151 = arith.xori %reduce_min3A_150, %reduce_min3A_148 : vector<16xi32>
      %reduce_min3A_152 = vector.extract %reduce_min3A_151[15] : i32 from vector<16xi32>
      %broadcast_in_dim3A_153 = vector.broadcast %reduce_min3A_152 : i32 to vector<16xi32>
      %min3A = arith.constant 32 : i32
      %min3A_154 = vector.broadcast %min3A : i32 to vector<16xi32>
      %min3A_155 = arith.minsi %scan3A_135#2, %min3A_154 : vector<16xi32>
      %iota3A = tpu.iota {dimensions = array<i32: 0>} : vector<16xi32>
      %add3A_156 = arith.constant 0 : i32
      %add3A_157 = vector.broadcast %add3A_156 : i32 to vector<16xi32>
      %add3A_158 = arith.addi %iota3A, %add3A_157 : vector<16xi32>
      %lt3A_159 = arith.cmpi slt, %add3A_158, %min3A_155 : vector<16xi32>
      %get3A = arith.constant 0 : index
      %get3A_160 = tpu.vector_load %arg23[%get3A] {strides = array<i32>} : memref<32xi32, #tpu.memory_space<vmem>>, vector<16xi32>,
      %select_n3A_161 = arith.select %lt3A_159, %get3A_160, %broadcast_in_dim3A_153 : vector<16xi1>, vector<16xi32>
      %add3A_162 = arith.addi %select_n3A_161, %broadcast_in_dim3A : vector<16xi32>
      %swap3A_163 = arith.constant 0 : index
      %swap3A_164 = tpu.vector_load %arg23[%swap3A_163] {strides = array<i32>} : memref<32xi32, #tpu.memory_space<vmem>>, vector<16xi32>,
      tpu.vector_store %arg23[%swap3A_163], %add3A_162 {strides = array<i32>} : memref<32xi32, #tpu.memory_space<vmem>>, vector<16xi32>,
      %iota3A_165 = tpu.iota {dimensions = array<i32: 0>} : vector<16xi32>
      %add3A_166 = arith.constant 16 : i32
      %add3A_167 = vector.broadcast %add3A_166 : i32 to vector<16xi32>
      %add3A_168 = arith.addi %iota3A_165, %add3A_167 : vector<16xi32>
      %lt3A_169 = arith.cmpi slt, %add3A_168, %min3A_155 : vector<16xi32>
      %get3A_170 = arith.constant 16 : index
      %get3A_171 = tpu.vector_load %arg23[%get3A_170] {strides = array<i32>} : memref<32xi32, #tpu.memory_space<vmem>>, vector<16xi32>,
      %select_n3A_172 = arith.select %lt3A_169, %get3A_171, %broadcast_in_dim3A_153 : vector<16xi1>, vector<16xi32>
      %add3A_173 = arith.addi %select_n3A_172, %broadcast_in_dim3A : vector<16xi32>
      %swap3A_174 = arith.constant 16 : index
      %swap3A_175 = tpu.vector_load %arg23[%swap3A_174] {strides = array<i32>} : memref<32xi32, #tpu.memory_space<vmem>>, vector<16xi32>,
      tpu.vector_store %arg23[%swap3A_174], %add3A_173 {strides = array<i32>} : memref<32xi32, #tpu.memory_space<vmem>>, vector<16xi32>,
      %dma_start3A = arith.constant 0 : i32
      %dma_start3A_176 = arith.constant 0 : i32
      %dma_start3A_177 = tpu.memref_slice %arg9[%dma_start3A, %dma_start3A_176] : memref<65536x128xf32, #tpu.memory_space<hbm>> -> memref<65536x128xf32, #tpu.memory_space<hbm>>
      tpu.enqueue_indirect_dma source(%dma_start3A_177 : memref<65536x128xf32, #tpu.memory_space<hbm>>) target(%arg24 : memref<32x128xf32, #tpu.memory_space<vmem>>) offsets(%arg23 : memref<32xi32, #tpu.memory_space<vmem>>) semaphore(%arg26 : memref<!tpu.dma_semaphore, #tpu.memory_space<semaphore_mem>>)
      %dma_wait3A = arith.constant 0 : i32
      %dma_wait3A_178 = arith.constant 0 : i32
      %dma_wait3A_179 = tpu.memref_slice %arg9[%dma_wait3A, %dma_wait3A_178] : memref<65536x128xf32, #tpu.memory_space<hbm>> -> memref<65536x128xf32, #tpu.memory_space<hbm>>
      tpu.wait_indirect_dma semaphore(%arg26 : memref<!tpu.dma_semaphore, #tpu.memory_space<semaphore_mem>>) src(%dma_wait3A_179 : memref<65536x128xf32, #tpu.memory_space<hbm>>) dst(%arg24 : memref<32x128xf32, #tpu.memory_space<vmem>>)
      %scan3A_180 = arith.constant 0 : i32
      %scan3A_181 = arith.constant 32 : i32
      %scan3A_182 = arith.addi %scan3A_180, %scan3A_181 : i32
      %scan3A_183 = arith.constant 1 : i32
      %scan3A_184:8 = scf.for %scan3A_191 = %scan3A_180 to %scan3A_182 step %scan3A_183 iter_args(%scan3A_192 = %scan3A_64, %scan3A_193 = %scan3A_65, %scan3A_194 = %scan3A_66, %scan3A_195 = %scan3A_67, %scan3A_196 = %scan3A_68, %scan3A_197 = %scan3A_69, %scan3A_198 = %scan3A_70, %scan3A_199 = %scan3A_71) -> (vector<16xf32>, vector<16xf32>, vector<16xf32>, vector<16xf32>, vector<16xf32>, vector<16xf32>, vector<16xf32>, vector<16xf32>)  : i32 {
        %get3A_200 = arith.constant 0 : index
        %get3A_201 = tpu.vector_load %arg22[%get3A_200] {strides = array<i32>} : memref<192xf32, #tpu.memory_space<vmem>>, vector<16xf32>,
        %mul3A_202 = arith.mulf %gather3A, %get3A_201 : vector<16xf32>
        %get3A_203 = arith.constant 64 : index
        %get3A_204 = tpu.vector_load %arg22[%get3A_203] {strides = array<i32>} : memref<192xf32, #tpu.memory_space<vmem>>, vector<16xf32>,
        %mul3A_205 = arith.mulf %gather3A_74, %get3A_204 : vector<16xf32>
        %add3A_206 = arith.addf %mul3A_202, %mul3A_205 : vector<16xf32>
        %get3A_207 = arith.constant 128 : index
        %get3A_208 = tpu.vector_load %arg22[%get3A_207] {strides = array<i32>} : memref<192xf32, #tpu.memory_space<vmem>>, vector<16xf32>,
        %mul3A_209 = arith.mulf %gather3A_76, %get3A_208 : vector<16xf32>
        %add3A_210 = arith.addf %add3A_206, %mul3A_209 : vector<16xf32>
        %get3A_211 = arith.index_cast %scan3A_191 : i32 to index
        %get3A_212 = arith.constant 0 : index
        %get3A_213 = tpu.vector_load %arg24[%get3A_211, %get3A_212] {strides = array<i32>} : memref<32x128xf32, #tpu.memory_space<vmem>>, vector<16xf32>,
        %sub3A_214 = arith.subf %get3A_213, %add3A_210 : vector<16xf32>
        %swap3A_215 = arith.index_cast %scan3A_191 : i32 to index
        %swap3A_216 = arith.constant 0 : index
        %swap3A_217 = tpu.vector_load %arg24[%swap3A_215, %swap3A_216] {strides = array<i32>} : memref<32x128xf32, #tpu.memory_space<vmem>>, vector<16xf32>,
        tpu.vector_store %arg24[%swap3A_215, %swap3A_216], %sub3A_214 {strides = array<i32>} : memref<32x128xf32, #tpu.memory_space<vmem>>, vector<16xf32>,
        %add3A_218 = arith.addf %scan3A_192, %sub3A_214 : vector<16xf32>
        %mul3A_219 = arith.mulf %sub3A_214, %sub3A_214 : vector<16xf32>
        %add3A_220 = arith.addf %scan3A_196, %mul3A_219 : vector<16xf32>
        %get3A_221 = arith.constant 16 : index
        %get3A_222 = tpu.vector_load %arg22[%get3A_221] {strides = array<i32>} : memref<192xf32, #tpu.memory_space<vmem>>, vector<16xf32>,
        %mul3A_223 = arith.mulf %gather3A, %get3A_222 : vector<16xf32>
        %get3A_224 = arith.constant 80 : index
        %get3A_225 = tpu.vector_load %arg22[%get3A_224] {strides = array<i32>} : memref<192xf32, #tpu.memory_space<vmem>>, vector<16xf32>,
        %mul3A_226 = arith.mulf %gather3A_74, %get3A_225 : vector<16xf32>
        %add3A_227 = arith.addf %mul3A_223, %mul3A_226 : vector<16xf32>
        %get3A_228 = arith.constant 144 : index
        %get3A_229 = tpu.vector_load %arg22[%get3A_228] {strides = array<i32>} : memref<192xf32, #tpu.memory_space<vmem>>, vector<16xf32>,
        %mul3A_230 = arith.mulf %gather3A_76, %get3A_229 : vector<16xf32>
        %add3A_231 = arith.addf %add3A_227, %mul3A_230 : vector<16xf32>
        %get3A_232 = arith.index_cast %scan3A_191 : i32 to index
        %get3A_233 = arith.constant 16 : index
        %get3A_234 = tpu.vector_load %arg24[%get3A_232, %get3A_233] {strides = array<i32>} : memref<32x128xf32, #tpu.memory_space<vmem>>, vector<16xf32>,
        %sub3A_235 = arith.subf %get3A_234, %add3A_231 : vector<16xf32>
        %swap3A_236 = arith.index_cast %scan3A_191 : i32 to index
        %swap3A_237 = arith.constant 16 : index
        %swap3A_238 = tpu.vector_load %arg24[%swap3A_236, %swap3A_237] {strides = array<i32>} : memref<32x128xf32, #tpu.memory_space<vmem>>, vector<16xf32>,
        tpu.vector_store %arg24[%swap3A_236, %swap3A_237], %sub3A_235 {strides = array<i32>} : memref<32x128xf32, #tpu.memory_space<vmem>>, vector<16xf32>,
        %add3A_239 = arith.addf %scan3A_193, %sub3A_235 : vector<16xf32>
        %mul3A_240 = arith.mulf %sub3A_235, %sub3A_235 : vector<16xf32>
        %add3A_241 = arith.addf %scan3A_197, %mul3A_240 : vector<16xf32>
        %get3A_242 = arith.constant 32 : index
        %get3A_243 = tpu.vector_load %arg22[%get3A_242] {strides = array<i32>} : memref<192xf32, #tpu.memory_space<vmem>>, vector<16xf32>,
        %mul3A_244 = arith.mulf %gather3A, %get3A_243 : vector<16xf32>
        %get3A_245 = arith.constant 96 : index
        %get3A_246 = tpu.vector_load %arg22[%get3A_245] {strides = array<i32>} : memref<192xf32, #tpu.memory_space<vmem>>, vector<16xf32>,
        %mul3A_247 = arith.mulf %gather3A_74, %get3A_246 : vector<16xf32>
        %add3A_248 = arith.addf %mul3A_244, %mul3A_247 : vector<16xf32>
        %get3A_249 = arith.constant 160 : index
        %get3A_250 = tpu.vector_load %arg22[%get3A_249] {strides = array<i32>} : memref<192xf32, #tpu.memory_space<vmem>>, vector<16xf32>,
        %mul3A_251 = arith.mulf %gather3A_76, %get3A_250 : vector<16xf32>
        %add3A_252 = arith.addf %add3A_248, %mul3A_251 : vector<16xf32>
        %get3A_253 = arith.index_cast %scan3A_191 : i32 to index
        %get3A_254 = arith.constant 32 : index
        %get3A_255 = tpu.vector_load %arg24[%get3A_253, %get3A_254] {strides = array<i32>} : memref<32x128xf32, #tpu.memory_space<vmem>>, vector<16xf32>,
        %sub3A_256 = arith.subf %get3A_255, %add3A_252 : vector<16xf32>
        %swap3A_257 = arith.index_cast %scan3A_191 : i32 to index
        %swap3A_258 = arith.constant 32 : index
        %swap3A_259 = tpu.vector_load %arg24[%swap3A_257, %swap3A_258] {strides = array<i32>} : memref<32x128xf32, #tpu.memory_space<vmem>>, vector<16xf32>,
        tpu.vector_store %arg24[%swap3A_257, %swap3A_258], %sub3A_256 {strides = array<i32>} : memref<32x128xf32, #tpu.memory_space<vmem>>, vector<16xf32>,
        %add3A_260 = arith.addf %scan3A_194, %sub3A_256 : vector<16xf32>
        %mul3A_261 = arith.mulf %sub3A_256, %sub3A_256 : vector<16xf32>
        %add3A_262 = arith.addf %scan3A_198, %mul3A_261 : vector<16xf32>
        %get3A_263 = arith.constant 48 : index
        %get3A_264 = tpu.vector_load %arg22[%get3A_263] {strides = array<i32>} : memref<192xf32, #tpu.memory_space<vmem>>, vector<16xf32>,
        %mul3A_265 = arith.mulf %gather3A, %get3A_264 : vector<16xf32>
        %get3A_266 = arith.constant 112 : index
        %get3A_267 = tpu.vector_load %arg22[%get3A_266] {strides = array<i32>} : memref<192xf32, #tpu.memory_space<vmem>>, vector<16xf32>,
        %mul3A_268 = arith.mulf %gather3A_74, %get3A_267 : vector<16xf32>
        %add3A_269 = arith.addf %mul3A_265, %mul3A_268 : vector<16xf32>
        %get3A_270 = arith.constant 176 : index
        %get3A_271 = tpu.vector_load %arg22[%get3A_270] {strides = array<i32>} : memref<192xf32, #tpu.memory_space<vmem>>, vector<16xf32>,
        %mul3A_272 = arith.mulf %gather3A_76, %get3A_271 : vector<16xf32>
        %add3A_273 = arith.addf %add3A_269, %mul3A_272 : vector<16xf32>
        %get3A_274 = arith.index_cast %scan3A_191 : i32 to index
        %get3A_275 = arith.constant 48 : index
        %get3A_276 = tpu.vector_load %arg24[%get3A_274, %get3A_275] {strides = array<i32>} : memref<32x128xf32, #tpu.memory_space<vmem>>, vector<16xf32>,
        %sub3A_277 = arith.subf %get3A_276, %add3A_273 : vector<16xf32>
        %swap3A_278 = arith.index_cast %scan3A_191 : i32 to index
        %swap3A_279 = arith.constant 48 : index
        %swap3A_280 = tpu.vector_load %arg24[%swap3A_278, %swap3A_279] {strides = array<i32>} : memref<32x128xf32, #tpu.memory_space<vmem>>, vector<16xf32>,
        tpu.vector_store %arg24[%swap3A_278, %swap3A_279], %sub3A_277 {strides = array<i32>} : memref<32x128xf32, #tpu.memory_space<vmem>>, vector<16xf32>,
        %add3A_281 = arith.addf %scan3A_195, %sub3A_277 : vector<16xf32>
        %mul3A_282 = arith.mulf %sub3A_277, %sub3A_277 : vector<16xf32>
        %add3A_283 = arith.addf %scan3A_199, %mul3A_282 : vector<16xf32>
        scf.yield %add3A_218, %add3A_239, %add3A_260, %add3A_281, %add3A_220, %add3A_241, %add3A_262, %add3A_283 : vector<16xf32>, vector<16xf32>, vector<16xf32>, vector<16xf32>, vector<16xf32>, vector<16xf32>, vector<16xf32>, vector<16xf32>
      }
      %scan3A_185 = arith.constant 32 : i32
      %mul3A_186 = arith.constant 256 : i32
      %mul3A_187 = arith.muli %add3A, %mul3A_186 : i32
      %add3A_188 = arith.addi %mul3A_187, %scan3A_63 : i32
      %mul3A_189 = arith.constant 32 : i32
      %mul3A_190 = arith.muli %add3A_188, %mul3A_189 : i32
      "tpu.region"() ({
        %run_scoped3A = tpu.sem_alloc : memref<!tpu.dma_semaphore, #tpu.memory_space<semaphore_mem>>
        %dma_start3A_191 = arith.constant 0 : i32
        %dma_start3A_192 = tpu.memref_slice %arg10[%mul3A_190, %dma_start3A_191] : memref<262144x128xf32, #tpu.memory_space<hbm>> -> memref<32x128xf32, #tpu.memory_space<hbm>>
        %dma_start3A_193 = arith.constant 0 : i32
        %dma_start3A_194 = tpu.memref_slice %arg10[%mul3A_190, %dma_start3A_193] : memref<262144x128xf32, #tpu.memory_space<hbm>> -> memref<32x128xf32, #tpu.memory_space<hbm>>
        tpu.enqueue_dma source(%arg24 : memref<32x128xf32, #tpu.memory_space<vmem>>) target(%dma_start3A_194 : memref<32x128xf32, #tpu.memory_space<hbm>>) target_semaphore(%run_scoped3A : memref<!tpu.dma_semaphore, #tpu.memory_space<semaphore_mem>>)
        %dma_wait3A_195 = arith.constant 0 : i32
        %dma_wait3A_196 = tpu.memref_slice %arg10[%mul3A_190, %dma_wait3A_195] : memref<262144x128xf32, #tpu.memory_space<hbm>> -> memref<32x128xf32, #tpu.memory_space<hbm>>
        %dma_wait3A_197 = arith.constant 0 : i32
        %dma_wait3A_198 = tpu.memref_slice %arg10[%mul3A_190, %dma_wait3A_197] : memref<262144x128xf32, #tpu.memory_space<hbm>> -> memref<32x128xf32, #tpu.memory_space<hbm>>
        tpu.wait_dma2 semaphore(%run_scoped3A : memref<!tpu.dma_semaphore, #tpu.memory_space<semaphore_mem>>) src(%arg24 : memref<32x128xf32, #tpu.memory_space<vmem>>) dst(%dma_wait3A_198 : memref<32x128xf32, #tpu.memory_space<hbm>>)
        tpu.yield
      }) : () -> ()
      scf.yield %scan3A_184#0, %scan3A_184#1, %scan3A_184#2, %scan3A_184#3, %scan3A_184#4, %scan3A_184#5, %scan3A_184#6, %scan3A_184#7 : vector<16xf32>, vector<16xf32>, vector<16xf32>, vector<16xf32>, vector<16xf32>, vector<16xf32>, vector<16xf32>, vector<16xf32>
    }
    %scan3A_47 = arith.constant 256 : i32
    %swap3A = arith.constant 0 : index
    %swap3A_48 = tpu.vector_load %arg25[%swap3A] {strides = array<i32>} : memref<128xf32, #tpu.memory_space<vmem>>, vector<16xf32>,
    tpu.vector_store %arg25[%swap3A], %scan3A_46#0 {strides = array<i32>} : memref<128xf32, #tpu.memory_space<vmem>>, vector<16xf32>,
    %swap3A_49 = arith.constant 16 : index
    %swap3A_50 = tpu.vector_load %arg25[%swap3A_49] {strides = array<i32>} : memref<128xf32, #tpu.memory_space<vmem>>, vector<16xf32>,
    tpu.vector_store %arg25[%swap3A_49], %scan3A_46#1 {strides = array<i32>} : memref<128xf32, #tpu.memory_space<vmem>>, vector<16xf32>,
    %swap3A_51 = arith.constant 32 : index
    %swap3A_52 = tpu.vector_load %arg25[%swap3A_51] {strides = array<i32>} : memref<128xf32, #tpu.memory_space<vmem>>, vector<16xf32>,
    tpu.vector_store %arg25[%swap3A_51], %scan3A_46#2 {strides = array<i32>} : memref<128xf32, #tpu.memory_space<vmem>>, vector<16xf32>,
    %swap3A_53 = arith.constant 48 : index
    %swap3A_54 = tpu.vector_load %arg25[%swap3A_53] {strides = array<i32>} : memref<128xf32, #tpu.memory_space<vmem>>, vector<16xf32>,
    tpu.vector_store %arg25[%swap3A_53], %scan3A_46#3 {strides = array<i32>} : memref<128xf32, #tpu.memory_space<vmem>>, vector<16xf32>,
    %swap3A_55 = arith.constant 64 : index
    %swap3A_56 = tpu.vector_load %arg25[%swap3A_55] {strides = array<i32>} : memref<128xf32, #tpu.memory_space<vmem>>, vector<16xf32>,
    tpu.vector_store %arg25[%swap3A_55], %scan3A_46#4 {strides = array<i32>} : memref<128xf32, #tpu.memory_space<vmem>>, vector<16xf32>,
    %swap3A_57 = arith.constant 80 : index
    %swap3A_58 = tpu.vector_load %arg25[%swap3A_57] {strides = array<i32>} : memref<128xf32, #tpu.memory_space<vmem>>, vector<16xf32>,
    tpu.vector_store %arg25[%swap3A_57], %scan3A_46#5 {strides = array<i32>} : memref<128xf32, #tpu.memory_space<vmem>>, vector<16xf32>,
    %swap3A_59 = arith.constant 96 : index
    %swap3A_60 = tpu.vector_load %arg25[%swap3A_59] {strides = array<i32>} : memref<128xf32, #tpu.memory_space<vmem>>, vector<16xf32>,
    tpu.vector_store %arg25[%swap3A_59], %scan3A_46#6 {strides = array<i32>} : memref<128xf32, #tpu.memory_space<vmem>>, vector<16xf32>,
    %swap3A_61 = arith.constant 112 : index
    %swap3A_62 = tpu.vector_load %arg25[%swap3A_61] {strides = array<i32>} : memref<128xf32, #tpu.memory_space<vmem>>, vector<16xf32>,
    tpu.vector_store %arg25[%swap3A_61], %scan3A_46#7 {strides = array<i32>} : memref<128xf32, #tpu.memory_space<vmem>>, vector<16xf32>,
    "tpu.region"() ({
      %run_scoped3A = tpu.sem_alloc : memref<!tpu.dma_semaphore, #tpu.memory_space<semaphore_mem>>
      %dma_start3A = arith.constant 0 : i32
      %dma_start3A_63 = tpu.memref_slice %arg11[%add3A, %dma_start3A] : memref<32x128xf32, #tpu.memory_space<hbm>> -> memref<1x128xf32, #tpu.memory_space<hbm>>
      %dma_start3A_64 = tpu.memref_squeeze %dma_start3A_63 : memref<1x128xf32, #tpu.memory_space<hbm>> -> memref<128xf32, #tpu.memory_space<hbm>>
      %dma_start3A_65 = arith.constant 0 : i32
      %dma_start3A_66 = tpu.memref_slice %arg11[%add3A, %dma_start3A_65] : memref<32x128xf32, #tpu.memory_space<hbm>> -> memref<1x128xf32, #tpu.memory_space<hbm>>
      %dma_start3A_67 = tpu.memref_squeeze %dma_start3A_66 : memref<1x128xf32, #tpu.memory_space<hbm>> -> memref<128xf32, #tpu.memory_space<hbm>>
      tpu.enqueue_dma source(%arg25 : memref<128xf32, #tpu.memory_space<vmem>>) target(%dma_start3A_67 : memref<128xf32, #tpu.memory_space<hbm>>) target_semaphore(%run_scoped3A : memref<!tpu.dma_semaphore, #tpu.memory_space<semaphore_mem>>)
      %dma_wait3A = arith.constant 0 : i32
      %dma_wait3A_68 = tpu.memref_slice %arg11[%add3A, %dma_wait3A] : memref<32x128xf32, #tpu.memory_space<hbm>> -> memref<1x128xf32, #tpu.memory_space<hbm>>
      %dma_wait3A_69 = tpu.memref_squeeze %dma_wait3A_68 : memref<1x128xf32, #tpu.memory_space<hbm>> -> memref<128xf32, #tpu.memory_space<hbm>>
      %dma_wait3A_70 = arith.constant 0 : i32
      %dma_wait3A_71 = tpu.memref_slice %arg11[%add3A, %dma_wait3A_70] : memref<32x128xf32, #tpu.memory_space<hbm>> -> memref<1x128xf32, #tpu.memory_space<hbm>>
      %dma_wait3A_72 = tpu.memref_squeeze %dma_wait3A_71 : memref<1x128xf32, #tpu.memory_space<hbm>> -> memref<128xf32, #tpu.memory_space<hbm>>
      tpu.wait_dma2 semaphore(%run_scoped3A : memref<!tpu.dma_semaphore, #tpu.memory_space<semaphore_mem>>) src(%arg25 : memref<128xf32, #tpu.memory_space<vmem>>) dst(%dma_wait3A_72 : memref<128xf32, #tpu.memory_space<hbm>>)
      tpu.yield
    }) : () -> ()
    return
  }
}

module attributes {stable_mosaic.version = 14 : i64} {
  func.func @_table_kernel(%arg0: i32, %arg1: memref<2048x64xf32, #tpu.memory_space<vmem>>, %arg2: memref<2048x3xf32, #tpu.memory_space<vmem>>, %arg3: memref<64x64xf32, #tpu.memory_space<vmem>>, %arg4: memref<3x64xf32, #tpu.memory_space<vmem>>, %arg5: memref<1x64xf32, #tpu.memory_space<vmem>>, %arg6: memref<2048x128xf32, #tpu.memory_space<vmem>>) attributes {dimension_semantics = [#tpu.dimension_semantics<arbitrary>], iteration_bounds = array<i64: 32>, scalar_prefetch = 0 : i64, scratch_operands = 0 : i64, tpu.core_type = #tpu.core_type<tc>, window_params = [{transform_indices = @transform_0, window_bounds = array<i64: 2048, 64>}, {transform_indices = @transform_1, window_bounds = array<i64: 2048, 3>}, {pipeline_mode = #tpu.pipeline_mode<synchronous>, transform_indices = @transform_2, window_bounds = array<i64: 64, 64>}, {pipeline_mode = #tpu.pipeline_mode<synchronous>, transform_indices = @transform_3, window_bounds = array<i64: 3, 64>}, {pipeline_mode = #tpu.pipeline_mode<synchronous>, transform_indices = @transform_4, window_bounds = array<i64: 1, 64>}, {transform_indices = @transform_5, window_bounds = array<i64: 2048, 128>}]} {
    %get3A = arith.constant 0 : index
    %get3A_0 = arith.constant 0 : index
    %get3A_1 = vector.load %arg1[%get3A, %get3A_0] : memref<2048x64xf32, #tpu.memory_space<vmem>>, vector<2048x64xf32>
    %get3A_2 = arith.constant 0 : index
    %get3A_3 = arith.constant 0 : index
    %get3A_4 = vector.load %arg3[%get3A_2, %get3A_3] : memref<64x64xf32, #tpu.memory_space<vmem>>, vector<64x64xf32>
    %dot_general3A = arith.constant dense<0.000000e+00> : vector<2048x64xf32>
    %dot_general3A_5 = tpu.matmul %get3A_1, %get3A_4, %dot_general3A {dimension_numbers = #tpu.dot_dimension_numbers<[1], [0], [0], [1], [0, 0, 1, 1], [], []>, transpose_lhs_hint = false} : vector<2048x64xf32>, vector<64x64xf32>, vector<2048x64xf32> -> vector<2048x64xf32>
    %get3A_6 = arith.constant 0 : index
    %get3A_7 = arith.constant 0 : index
    %get3A_8 = vector.load %arg2[%get3A_6, %get3A_7] : memref<2048x3xf32, #tpu.memory_space<vmem>>, vector<2048x1xf32>
    %get3A_9 = arith.constant 0 : index
    %get3A_10 = arith.constant 0 : index
    %get3A_11 = vector.load %arg4[%get3A_9, %get3A_10] : memref<3x64xf32, #tpu.memory_space<vmem>>, vector<1x64xf32>
    %mul3A = vector.broadcast %get3A_8 : vector<2048x1xf32> to vector<2048x64xf32>
    %mul3A_12 = vector.broadcast %get3A_11 : vector<1x64xf32> to vector<2048x64xf32>
    %mul3A_13 = arith.mulf %mul3A, %mul3A_12 : vector<2048x64xf32>
    %add3A = arith.addf %dot_general3A_5, %mul3A_13 : vector<2048x64xf32>
    %get3A_14 = arith.constant 0 : index
    %get3A_15 = arith.constant 1 : index
    %get3A_16 = vector.load %arg2[%get3A_14, %get3A_15] : memref<2048x3xf32, #tpu.memory_space<vmem>>, vector<2048x1xf32>
    %get3A_17 = arith.constant 1 : index
    %get3A_18 = arith.constant 0 : index
    %get3A_19 = vector.load %arg4[%get3A_17, %get3A_18] : memref<3x64xf32, #tpu.memory_space<vmem>>, vector<1x64xf32>
    %mul3A_20 = vector.broadcast %get3A_16 : vector<2048x1xf32> to vector<2048x64xf32>
    %mul3A_21 = vector.broadcast %get3A_19 : vector<1x64xf32> to vector<2048x64xf32>
    %mul3A_22 = arith.mulf %mul3A_20, %mul3A_21 : vector<2048x64xf32>
    %add3A_23 = arith.addf %add3A, %mul3A_22 : vector<2048x64xf32>
    %get3A_24 = arith.constant 0 : index
    %get3A_25 = arith.constant 2 : index
    %get3A_26 = vector.load %arg2[%get3A_24, %get3A_25] : memref<2048x3xf32, #tpu.memory_space<vmem>>, vector<2048x1xf32>
    %get3A_27 = arith.constant 2 : index
    %get3A_28 = arith.constant 0 : index
    %get3A_29 = vector.load %arg4[%get3A_27, %get3A_28] : memref<3x64xf32, #tpu.memory_space<vmem>>, vector<1x64xf32>
    %mul3A_30 = vector.broadcast %get3A_26 : vector<2048x1xf32> to vector<2048x64xf32>
    %mul3A_31 = vector.broadcast %get3A_29 : vector<1x64xf32> to vector<2048x64xf32>
    %mul3A_32 = arith.mulf %mul3A_30, %mul3A_31 : vector<2048x64xf32>
    %add3A_33 = arith.addf %add3A_23, %mul3A_32 : vector<2048x64xf32>
    %get3A_34 = arith.constant 0 : index
    %get3A_35 = arith.constant 0 : index
    %get3A_36 = vector.load %arg5[%get3A_34, %get3A_35] : memref<1x64xf32, #tpu.memory_space<vmem>>, vector<1x64xf32>
    %add3A_37 = vector.broadcast %get3A_36 : vector<1x64xf32> to vector<2048x64xf32>
    %add3A_38 = arith.addf %add3A_33, %add3A_37 : vector<2048x64xf32>
    %broadcast_in_dim3A = arith.constant 0.000000e+00 : f32
    %broadcast_in_dim3A_39 = vector.broadcast %broadcast_in_dim3A : f32 to vector<2048x64xf32>
    %concatenate3A = tpu.concatenate %add3A_38, %broadcast_in_dim3A_39 in 1 : vector<2048x64xf32>, vector<2048x64xf32> -> vector<2048x128xf32>
    %swap3A = arith.constant 0 : index
    %swap3A_40 = arith.constant 0 : index
    %swap3A_41 = vector.load %arg6[%swap3A, %swap3A_40] : memref<2048x128xf32, #tpu.memory_space<vmem>>, vector<2048x128xf32>
    tpu.vector_store %arg6[%swap3A, %swap3A_40], %concatenate3A {strides = array<i32>} : memref<2048x128xf32, #tpu.memory_space<vmem>>, vector<2048x128xf32>,
    return
  }
  func.func @transform_0(%arg0: i32) -> (i32, i32) {
    %c0_i32 = arith.constant 0 : i32
    %c0_i32_0 = arith.constant 0 : i32
    return %arg0, %c0_i32 : i32, i32
  }
  func.func @transform_1(%arg0: i32) -> (i32, i32) {
    %c0_i32 = arith.constant 0 : i32
    %c0_i32_0 = arith.constant 0 : i32
    return %arg0, %c0_i32 : i32, i32
  }
  func.func @transform_2(%arg0: i32) -> (i32, i32) {
    %c0_i32 = arith.constant 0 : i32
    %c0_i32_0 = arith.constant 0 : i32
    %c0_i32_1 = arith.constant 0 : i32
    return %c0_i32, %c0_i32_0 : i32, i32
  }
  func.func @transform_3(%arg0: i32) -> (i32, i32) {
    %c0_i32 = arith.constant 0 : i32
    %c0_i32_0 = arith.constant 0 : i32
    %c0_i32_1 = arith.constant 0 : i32
    return %c0_i32, %c0_i32_0 : i32, i32
  }
  func.func @transform_4(%arg0: i32) -> (i32, i32) {
    %c0_i32 = arith.constant 0 : i32
    %c0_i32_0 = arith.constant 0 : i32
    %c0_i32_1 = arith.constant 0 : i32
    return %c0_i32, %c0_i32_0 : i32, i32
  }
  func.func @transform_5(%arg0: i32) -> (i32, i32) {
    %c0_i32 = arith.constant 0 : i32
    %c0_i32_0 = arith.constant 0 : i32
    return %arg0, %c0_i32 : i32, i32
  }
}

module attributes {stable_mosaic.version = 14 : i64} {
  func.func @_layer3_kernel(%arg0: i32, %arg1: memref<1024x64xf32, #tpu.memory_space<vmem>>, %arg2: memref<1x64xf32, #tpu.memory_space<vmem>>, %arg3: memref<1x64xf32, #tpu.memory_space<vmem>>, %arg4: memref<64x128xf32, #tpu.memory_space<vmem>>, %arg5: memref<32x128xf32, #tpu.memory_space<vmem>>, %arg6: memref<8x128xf32, #tpu.memory_space<vmem>>, %arg7: memref<8x128xf32, #tpu.memory_space<vmem>>) attributes {dimension_semantics = [#tpu.dimension_semantics<arbitrary>], iteration_bounds = array<i64: 256>, scalar_prefetch = 0 : i64, scratch_operands = 1 : i64, tpu.core_type = #tpu.core_type<tc>, window_params = [{transform_indices = @transform_0, window_bounds = array<i64: 1024, 64>}, {pipeline_mode = #tpu.pipeline_mode<synchronous>, transform_indices = @transform_1, window_bounds = array<i64: 1, 64>}, {pipeline_mode = #tpu.pipeline_mode<synchronous>, transform_indices = @transform_2, window_bounds = array<i64: 1, 64>}, {pipeline_mode = #tpu.pipeline_mode<synchronous>, transform_indices = @transform_3, window_bounds = array<i64: 64, 128>}, {transform_indices = @transform_4, window_bounds = array<i64: 32, 128>}, {pipeline_mode = #tpu.pipeline_mode<synchronous>, transform_indices = @transform_5, window_bounds = array<i64: 8, 128>}]} {
    %eq3A = arith.constant 0 : i32
    %eq3A_0 = arith.cmpi eq, %arg0, %eq3A : i32
    %convert_element_type3A = arith.extui %eq3A_0 : i1 to i32
    %cond3A = arith.constant 0 : i32
    %cond3A_1 = arith.cmpi ne, %convert_element_type3A, %cond3A : i32
    scf.if %cond3A_1 {
      %broadcast_in_dim3A_45 = arith.constant 0.000000e+00 : f32
      %broadcast_in_dim3A_46 = vector.broadcast %broadcast_in_dim3A_45 : f32 to vector<8x128xf32>
      %swap3A_47 = arith.constant 0 : index
      %swap3A_48 = arith.constant 0 : index
      %swap3A_49 = vector.load %arg7[%swap3A_47, %swap3A_48] : memref<8x128xf32, #tpu.memory_space<vmem>>, vector<8x128xf32>
      tpu.vector_store %arg7[%swap3A_47, %swap3A_48], %broadcast_in_dim3A_46 {strides = array<i32>} : memref<8x128xf32, #tpu.memory_space<vmem>>, vector<8x128xf32>,
    } else {
    }
    %get3A = arith.constant 0 : index
    %get3A_2 = arith.constant 0 : index
    %get3A_3 = vector.load %arg1[%get3A, %get3A_2] : memref<1024x64xf32, #tpu.memory_space<vmem>>, vector<1024x64xf32>
    %get3A_4 = arith.constant 0 : index
    %get3A_5 = arith.constant 0 : index
    %get3A_6 = vector.load %arg2[%get3A_4, %get3A_5] : memref<1x64xf32, #tpu.memory_space<vmem>>, vector<1x64xf32>
    %mul3A = vector.broadcast %get3A_6 : vector<1x64xf32> to vector<1024x64xf32>
    %mul3A_7 = arith.mulf %get3A_3, %mul3A : vector<1024x64xf32>
    %get3A_8 = arith.constant 0 : index
    %get3A_9 = arith.constant 0 : index
    %get3A_10 = vector.load %arg3[%get3A_8, %get3A_9] : memref<1x64xf32, #tpu.memory_space<vmem>>, vector<1x64xf32>
    %add3A = vector.broadcast %get3A_10 : vector<1x64xf32> to vector<1024x64xf32>
    %add3A_11 = arith.addf %mul3A_7, %add3A : vector<1024x64xf32>
    %max3A = arith.constant 0.000000e+00 : f32
    %max3A_12 = vector.broadcast %max3A : f32 to vector<1024x64xf32>
    %max3A_13 = arith.maximumf %add3A_11, %max3A_12 : vector<1024x64xf32>
    %get3A_14 = arith.constant 0 : index
    %get3A_15 = arith.constant 0 : index
    %get3A_16 = vector.load %arg4[%get3A_14, %get3A_15] : memref<64x128xf32, #tpu.memory_space<vmem>>, vector<64x128xf32>
    %dot_general3A = arith.constant dense<0.000000e+00> : vector<1024x128xf32>
    %dot_general3A_17 = tpu.matmul %max3A_13, %get3A_16, %dot_general3A {dimension_numbers = #tpu.dot_dimension_numbers<[1], [0], [0], [1], [0, 0, 1, 1], [], []>, transpose_lhs_hint = false} : vector<1024x64xf32>, vector<64x128xf32>, vector<1024x128xf32> -> vector<1024x128xf32>
    %get3A_18 = arith.constant 0 : index
    %get3A_19 = arith.constant 0 : index
    %get3A_20 = vector.load %arg7[%get3A_18, %get3A_19] : memref<8x128xf32, #tpu.memory_space<vmem>>, vector<1x128xf32>
    %reduce_sum3A = arith.constant dense<0.000000e+00> : vector<128xf32>
    %reduce_sum3A_21 = vector.multi_reduction <add>, %dot_general3A_17, %reduce_sum3A [0] : vector<1024x128xf32> to vector<128xf32>
    %broadcast_in_dim3A = vector.shape_cast %reduce_sum3A_21 : vector<128xf32> to vector<1x128xf32>
    %add3A_22 = arith.addf %get3A_20, %broadcast_in_dim3A : vector<1x128xf32>
    %swap3A = arith.constant 0 : index
    %swap3A_23 = arith.constant 0 : index
    %swap3A_24 = vector.load %arg7[%swap3A, %swap3A_23] : memref<8x128xf32, #tpu.memory_space<vmem>>, vector<1x128xf32>
    tpu.vector_store %arg7[%swap3A, %swap3A_23], %add3A_22 {strides = array<i32>} : memref<8x128xf32, #tpu.memory_space<vmem>>, vector<1x128xf32>,
    %get3A_25 = arith.constant 1 : index
    %get3A_26 = arith.constant 0 : index
    %get3A_27 = vector.load %arg7[%get3A_25, %get3A_26] : memref<8x128xf32, #tpu.memory_space<vmem>>, vector<1x128xf32>
    %mul3A_28 = arith.mulf %dot_general3A_17, %dot_general3A_17 : vector<1024x128xf32>
    %reduce_sum3A_29 = arith.constant dense<0.000000e+00> : vector<128xf32>
    %reduce_sum3A_30 = vector.multi_reduction <add>, %mul3A_28, %reduce_sum3A_29 [0] : vector<1024x128xf32> to vector<128xf32>
    %broadcast_in_dim3A_31 = vector.shape_cast %reduce_sum3A_30 : vector<128xf32> to vector<1x128xf32>
    %add3A_32 = arith.addf %get3A_27, %broadcast_in_dim3A_31 : vector<1x128xf32>
    %swap3A_33 = arith.constant 1 : index
    %swap3A_34 = arith.constant 0 : index
    %swap3A_35 = vector.load %arg7[%swap3A_33, %swap3A_34] : memref<8x128xf32, #tpu.memory_space<vmem>>, vector<1x128xf32>
    tpu.vector_store %arg7[%swap3A_33, %swap3A_34], %add3A_32 {strides = array<i32>} : memref<8x128xf32, #tpu.memory_space<vmem>>, vector<1x128xf32>,
    %reshape3A = vector.shape_cast %dot_general3A_17 : vector<1024x128xf32> to vector<32x32x128xf32>
    %reduce_max3A = arith.constant dense<0xFF800000> : vector<32x128xf32>
    %reduce_max3A_36 = vector.multi_reduction <maximumf>, %reshape3A, %reduce_max3A [1] : vector<32x32x128xf32> to vector<32x128xf32>
    %swap3A_37 = arith.constant 0 : index
    %swap3A_38 = arith.constant 0 : index
    %swap3A_39 = vector.load %arg5[%swap3A_37, %swap3A_38] : memref<32x128xf32, #tpu.memory_space<vmem>>, vector<32x128xf32>
    tpu.vector_store %arg5[%swap3A_37, %swap3A_38], %reduce_max3A_36 {strides = array<i32>} : memref<32x128xf32, #tpu.memory_space<vmem>>, vector<32x128xf32>,
    %eq3A_40 = arith.constant 255 : i32
    %eq3A_41 = arith.cmpi eq, %arg0, %eq3A_40 : i32
    %convert_element_type3A_42 = arith.extui %eq3A_41 : i1 to i32
    %cond3A_43 = arith.constant 0 : i32
    %cond3A_44 = arith.cmpi ne, %convert_element_type3A_42, %cond3A_43 : i32
    scf.if %cond3A_44 {
      %get3A_45 = arith.constant 0 : index
      %get3A_46 = arith.constant 0 : index
      %get3A_47 = vector.load %arg7[%get3A_45, %get3A_46] : memref<8x128xf32, #tpu.memory_space<vmem>>, vector<8x128xf32>
      %swap3A_48 = arith.constant 0 : index
      %swap3A_49 = arith.constant 0 : index
      %swap3A_50 = vector.load %arg6[%swap3A_48, %swap3A_49] : memref<8x128xf32, #tpu.memory_space<vmem>>, vector<8x128xf32>
      tpu.vector_store %arg6[%swap3A_48, %swap3A_49], %get3A_47 {strides = array<i32>} : memref<8x128xf32, #tpu.memory_space<vmem>>, vector<8x128xf32>,
    } else {
    }
    return
  }
  func.func @transform_0(%arg0: i32) -> (i32, i32) {
    %c0_i32 = arith.constant 0 : i32
    %c0_i32_0 = arith.constant 0 : i32
    return %arg0, %c0_i32 : i32, i32
  }
  func.func @transform_1(%arg0: i32) -> (i32, i32) {
    %c0_i32 = arith.constant 0 : i32
    %c0_i32_0 = arith.constant 0 : i32
    %c0_i32_1 = arith.constant 0 : i32
    return %c0_i32, %c0_i32_0 : i32, i32
  }
  func.func @transform_2(%arg0: i32) -> (i32, i32) {
    %c0_i32 = arith.constant 0 : i32
    %c0_i32_0 = arith.constant 0 : i32
    %c0_i32_1 = arith.constant 0 : i32
    return %c0_i32, %c0_i32_0 : i32, i32
  }
  func.func @transform_3(%arg0: i32) -> (i32, i32) {
    %c0_i32 = arith.constant 0 : i32
    %c0_i32_0 = arith.constant 0 : i32
    %c0_i32_1 = arith.constant 0 : i32
    return %c0_i32, %c0_i32_0 : i32, i32
  }
  func.func @transform_4(%arg0: i32) -> (i32, i32) {
    %c0_i32 = arith.constant 0 : i32
    %c0_i32_0 = arith.constant 0 : i32
    return %arg0, %c0_i32 : i32, i32
  }
  func.func @transform_5(%arg0: i32) -> (i32, i32) {
    %c0_i32 = arith.constant 0 : i32
    %c0_i32_0 = arith.constant 0 : i32
    %c0_i32_1 = arith.constant 0 : i32
    return %c0_i32, %c0_i32_0 : i32, i32
  }
}

module attributes {stable_mosaic.version = 14 : i64} {
  func.func @_layer2_kernel(%arg0: i32, %arg1: memref<1024x128xf32, #tpu.memory_space<vmem>>, %arg2: memref<1x128xf32, #tpu.memory_space<vmem>>, %arg3: memref<1x128xf32, #tpu.memory_space<vmem>>, %arg4: memref<128x64xf32, #tpu.memory_space<vmem>>, %arg5: memref<1024x64xf32, #tpu.memory_space<vmem>>, %arg6: memref<8x64xf32, #tpu.memory_space<vmem>>, %arg7: memref<8x64xf32, #tpu.memory_space<vmem>>) attributes {dimension_semantics = [#tpu.dimension_semantics<arbitrary>], iteration_bounds = array<i64: 256>, scalar_prefetch = 0 : i64, scratch_operands = 1 : i64, tpu.core_type = #tpu.core_type<tc>, window_params = [{transform_indices = @transform_0, window_bounds = array<i64: 1024, 128>}, {pipeline_mode = #tpu.pipeline_mode<synchronous>, transform_indices = @transform_1, window_bounds = array<i64: 1, 128>}, {pipeline_mode = #tpu.pipeline_mode<synchronous>, transform_indices = @transform_2, window_bounds = array<i64: 1, 128>}, {pipeline_mode = #tpu.pipeline_mode<synchronous>, transform_indices = @transform_3, window_bounds = array<i64: 128, 64>}, {transform_indices = @transform_4, window_bounds = array<i64: 1024, 64>}, {pipeline_mode = #tpu.pipeline_mode<synchronous>, transform_indices = @transform_5, window_bounds = array<i64: 8, 64>}]} {
    %eq3A = arith.constant 0 : i32
    %eq3A_0 = arith.cmpi eq, %arg0, %eq3A : i32
    %convert_element_type3A = arith.extui %eq3A_0 : i1 to i32
    %cond3A = arith.constant 0 : i32
    %cond3A_1 = arith.cmpi ne, %convert_element_type3A, %cond3A : i32
    scf.if %cond3A_1 {
      %broadcast_in_dim3A_44 = arith.constant 0.000000e+00 : f32
      %broadcast_in_dim3A_45 = vector.broadcast %broadcast_in_dim3A_44 : f32 to vector<8x64xf32>
      %swap3A_46 = arith.constant 0 : index
      %swap3A_47 = arith.constant 0 : index
      %swap3A_48 = vector.load %arg7[%swap3A_46, %swap3A_47] : memref<8x64xf32, #tpu.memory_space<vmem>>, vector<8x64xf32>
      tpu.vector_store %arg7[%swap3A_46, %swap3A_47], %broadcast_in_dim3A_45 {strides = array<i32>} : memref<8x64xf32, #tpu.memory_space<vmem>>, vector<8x64xf32>,
    } else {
    }
    %get3A = arith.constant 0 : index
    %get3A_2 = arith.constant 0 : index
    %get3A_3 = vector.load %arg1[%get3A, %get3A_2] : memref<1024x128xf32, #tpu.memory_space<vmem>>, vector<1024x128xf32>
    %get3A_4 = arith.constant 0 : index
    %get3A_5 = arith.constant 0 : index
    %get3A_6 = vector.load %arg2[%get3A_4, %get3A_5] : memref<1x128xf32, #tpu.memory_space<vmem>>, vector<1x128xf32>
    %mul3A = vector.broadcast %get3A_6 : vector<1x128xf32> to vector<1024x128xf32>
    %mul3A_7 = arith.mulf %get3A_3, %mul3A : vector<1024x128xf32>
    %get3A_8 = arith.constant 0 : index
    %get3A_9 = arith.constant 0 : index
    %get3A_10 = vector.load %arg3[%get3A_8, %get3A_9] : memref<1x128xf32, #tpu.memory_space<vmem>>, vector<1x128xf32>
    %add3A = vector.broadcast %get3A_10 : vector<1x128xf32> to vector<1024x128xf32>
    %add3A_11 = arith.addf %mul3A_7, %add3A : vector<1024x128xf32>
    %max3A = arith.constant 0.000000e+00 : f32
    %max3A_12 = vector.broadcast %max3A : f32 to vector<1024x128xf32>
    %max3A_13 = arith.maximumf %add3A_11, %max3A_12 : vector<1024x128xf32>
    %get3A_14 = arith.constant 0 : index
    %get3A_15 = arith.constant 0 : index
    %get3A_16 = vector.load %arg4[%get3A_14, %get3A_15] : memref<128x64xf32, #tpu.memory_space<vmem>>, vector<128x64xf32>
    %dot_general3A = arith.constant dense<0.000000e+00> : vector<1024x64xf32>
    %dot_general3A_17 = tpu.matmul %max3A_13, %get3A_16, %dot_general3A {dimension_numbers = #tpu.dot_dimension_numbers<[1], [0], [0], [1], [0, 0, 1, 1], [], []>, transpose_lhs_hint = false} : vector<1024x128xf32>, vector<128x64xf32>, vector<1024x64xf32> -> vector<1024x64xf32>
    %swap3A = arith.constant 0 : index
    %swap3A_18 = arith.constant 0 : index
    %swap3A_19 = vector.load %arg5[%swap3A, %swap3A_18] : memref<1024x64xf32, #tpu.memory_space<vmem>>, vector<1024x64xf32>
    tpu.vector_store %arg5[%swap3A, %swap3A_18], %dot_general3A_17 {strides = array<i32>} : memref<1024x64xf32, #tpu.memory_space<vmem>>, vector<1024x64xf32>,
    %get3A_20 = arith.constant 0 : index
    %get3A_21 = arith.constant 0 : index
    %get3A_22 = vector.load %arg7[%get3A_20, %get3A_21] : memref<8x64xf32, #tpu.memory_space<vmem>>, vector<1x64xf32>
    %reduce_sum3A = arith.constant dense<0.000000e+00> : vector<64xf32>
    %reduce_sum3A_23 = vector.multi_reduction <add>, %dot_general3A_17, %reduce_sum3A [0] : vector<1024x64xf32> to vector<64xf32>
    %broadcast_in_dim3A = vector.shape_cast %reduce_sum3A_23 : vector<64xf32> to vector<1x64xf32>
    %add3A_24 = arith.addf %get3A_22, %broadcast_in_dim3A : vector<1x64xf32>
    %swap3A_25 = arith.constant 0 : index
    %swap3A_26 = arith.constant 0 : index
    %swap3A_27 = vector.load %arg7[%swap3A_25, %swap3A_26] : memref<8x64xf32, #tpu.memory_space<vmem>>, vector<1x64xf32>
    tpu.vector_store %arg7[%swap3A_25, %swap3A_26], %add3A_24 {strides = array<i32>} : memref<8x64xf32, #tpu.memory_space<vmem>>, vector<1x64xf32>,
    %get3A_28 = arith.constant 1 : index
    %get3A_29 = arith.constant 0 : index
    %get3A_30 = vector.load %arg7[%get3A_28, %get3A_29] : memref<8x64xf32, #tpu.memory_space<vmem>>, vector<1x64xf32>
    %mul3A_31 = arith.mulf %dot_general3A_17, %dot_general3A_17 : vector<1024x64xf32>
    %reduce_sum3A_32 = arith.constant dense<0.000000e+00> : vector<64xf32>
    %reduce_sum3A_33 = vector.multi_reduction <add>, %mul3A_31, %reduce_sum3A_32 [0] : vector<1024x64xf32> to vector<64xf32>
    %broadcast_in_dim3A_34 = vector.shape_cast %reduce_sum3A_33 : vector<64xf32> to vector<1x64xf32>
    %add3A_35 = arith.addf %get3A_30, %broadcast_in_dim3A_34 : vector<1x64xf32>
    %swap3A_36 = arith.constant 1 : index
    %swap3A_37 = arith.constant 0 : index
    %swap3A_38 = vector.load %arg7[%swap3A_36, %swap3A_37] : memref<8x64xf32, #tpu.memory_space<vmem>>, vector<1x64xf32>
    tpu.vector_store %arg7[%swap3A_36, %swap3A_37], %add3A_35 {strides = array<i32>} : memref<8x64xf32, #tpu.memory_space<vmem>>, vector<1x64xf32>,
    %eq3A_39 = arith.constant 255 : i32
    %eq3A_40 = arith.cmpi eq, %arg0, %eq3A_39 : i32
    %convert_element_type3A_41 = arith.extui %eq3A_40 : i1 to i32
    %cond3A_42 = arith.constant 0 : i32
    %cond3A_43 = arith.cmpi ne, %convert_element_type3A_41, %cond3A_42 : i32
    scf.if %cond3A_43 {
      %get3A_44 = arith.constant 0 : index
      %get3A_45 = arith.constant 0 : index
      %get3A_46 = vector.load %arg7[%get3A_44, %get3A_45] : memref<8x64xf32, #tpu.memory_space<vmem>>, vector<8x64xf32>
      %swap3A_47 = arith.constant 0 : index
      %swap3A_48 = arith.constant 0 : index
      %swap3A_49 = vector.load %arg6[%swap3A_47, %swap3A_48] : memref<8x64xf32, #tpu.memory_space<vmem>>, vector<8x64xf32>
      tpu.vector_store %arg6[%swap3A_47, %swap3A_48], %get3A_46 {strides = array<i32>} : memref<8x64xf32, #tpu.memory_space<vmem>>, vector<8x64xf32>,
    } else {
    }
    return
  }
  func.func @transform_0(%arg0: i32) -> (i32, i32) {
    %c0_i32 = arith.constant 0 : i32
    %c0_i32_0 = arith.constant 0 : i32
    return %arg0, %c0_i32 : i32, i32
  }
  func.func @transform_1(%arg0: i32) -> (i32, i32) {
    %c0_i32 = arith.constant 0 : i32
    %c0_i32_0 = arith.constant 0 : i32
    %c0_i32_1 = arith.constant 0 : i32
    return %c0_i32, %c0_i32_0 : i32, i32
  }
  func.func @transform_2(%arg0: i32) -> (i32, i32) {
    %c0_i32 = arith.constant 0 : i32
    %c0_i32_0 = arith.constant 0 : i32
    %c0_i32_1 = arith.constant 0 : i32
    return %c0_i32, %c0_i32_0 : i32, i32
  }
  func.func @transform_3(%arg0: i32) -> (i32, i32) {
    %c0_i32 = arith.constant 0 : i32
    %c0_i32_0 = arith.constant 0 : i32
    %c0_i32_1 = arith.constant 0 : i32
    return %c0_i32, %c0_i32_0 : i32, i32
  }
  func.func @transform_4(%arg0: i32) -> (i32, i32) {
    %c0_i32 = arith.constant 0 : i32
    %c0_i32_0 = arith.constant 0 : i32
    return %arg0, %c0_i32 : i32, i32
  }
  func.func @transform_5(%arg0: i32) -> (i32, i32) {
    %c0_i32 = arith.constant 0 : i32
    %c0_i32_0 = arith.constant 0 : i32
    %c0_i32_1 = arith.constant 0 : i32
    return %c0_i32, %c0_i32_0 : i32, i32
  }
}

module attributes {stable_mosaic.version = 14 : i64} {
  func.func @_final_kernel(%arg0: i32, %arg1: memref<1024x128xf32, #tpu.memory_space<vmem>>, %arg2: memref<1x128xf32, #tpu.memory_space<vmem>>, %arg3: memref<1x128xf32, #tpu.memory_space<vmem>>, %arg4: memref<1024x128xf32, #tpu.memory_space<vmem>>) attributes {dimension_semantics = [#tpu.dimension_semantics<arbitrary>], iteration_bounds = array<i64: 8>, scalar_prefetch = 0 : i64, scratch_operands = 0 : i64, tpu.core_type = #tpu.core_type<tc>, window_params = [{transform_indices = @transform_0, window_bounds = array<i64: 1024, 128>}, {pipeline_mode = #tpu.pipeline_mode<synchronous>, transform_indices = @transform_1, window_bounds = array<i64: 1, 128>}, {pipeline_mode = #tpu.pipeline_mode<synchronous>, transform_indices = @transform_2, window_bounds = array<i64: 1, 128>}, {transform_indices = @transform_3, window_bounds = array<i64: 1024, 128>}]} {
    %get3A = arith.constant 0 : index
    %get3A_0 = arith.constant 0 : index
    %get3A_1 = vector.load %arg1[%get3A, %get3A_0] : memref<1024x128xf32, #tpu.memory_space<vmem>>, vector<1024x128xf32>
    %get3A_2 = arith.constant 0 : index
    %get3A_3 = arith.constant 0 : index
    %get3A_4 = vector.load %arg2[%get3A_2, %get3A_3] : memref<1x128xf32, #tpu.memory_space<vmem>>, vector<1x128xf32>
    %mul3A = vector.broadcast %get3A_4 : vector<1x128xf32> to vector<1024x128xf32>
    %mul3A_5 = arith.mulf %get3A_1, %mul3A : vector<1024x128xf32>
    %get3A_6 = arith.constant 0 : index
    %get3A_7 = arith.constant 0 : index
    %get3A_8 = vector.load %arg3[%get3A_6, %get3A_7] : memref<1x128xf32, #tpu.memory_space<vmem>>, vector<1x128xf32>
    %add3A = vector.broadcast %get3A_8 : vector<1x128xf32> to vector<1024x128xf32>
    %add3A_9 = arith.addf %mul3A_5, %add3A : vector<1024x128xf32>
    %max3A = arith.constant 0.000000e+00 : f32
    %max3A_10 = vector.broadcast %max3A : f32 to vector<1024x128xf32>
    %max3A_11 = arith.maximumf %add3A_9, %max3A_10 : vector<1024x128xf32>
    %swap3A = arith.constant 0 : index
    %swap3A_12 = arith.constant 0 : index
    %swap3A_13 = vector.load %arg4[%swap3A, %swap3A_12] : memref<1024x128xf32, #tpu.memory_space<vmem>>, vector<1024x128xf32>
    tpu.vector_store %arg4[%swap3A, %swap3A_12], %max3A_11 {strides = array<i32>} : memref<1024x128xf32, #tpu.memory_space<vmem>>, vector<1024x128xf32>,
    return
  }
  func.func @transform_0(%arg0: i32) -> (i32, i32) {
    %c0_i32 = arith.constant 0 : i32
    %c0_i32_0 = arith.constant 0 : i32
    return %arg0, %c0_i32 : i32, i32
  }
  func.func @transform_1(%arg0: i32) -> (i32, i32) {
    %c0_i32 = arith.constant 0 : i32
    %c0_i32_0 = arith.constant 0 : i32
    %c0_i32_1 = arith.constant 0 : i32
    return %c0_i32, %c0_i32_0 : i32, i32
  }
  func.func @transform_2(%arg0: i32) -> (i32, i32) {
    %c0_i32 = arith.constant 0 : i32
    %c0_i32_0 = arith.constant 0 : i32
    %c0_i32_1 = arith.constant 0 : i32
    return %c0_i32, %c0_i32_0 : i32, i32
  }
  func.func @transform_3(%arg0: i32) -> (i32, i32) {
    %c0_i32 = arith.constant 0 : i32
    %c0_i32_0 = arith.constant 0 : i32
    return %arg0, %c0_i32 : i32, i32
  }
}

</mosaic_0001>

<sc_bundles>
// kernel: gather_offload_async_start
scs
__scs_entry_jumppad:
0x0: {  	(pc) =	sbr.rel $0x88, $3  }
0x1: {  	(tag) =	ssettag $0x0;
	lr =	simm.s32 $0x1  }
0x2: {  	[smem:$0x3F95] =	sst lr;
	_ =	strace $0xD0000000  }
0x3: {  	_ = 	snop  }
0x4: {  	_ = 	snop  }
0x5: {  	_ = 	snop  }
0x6: {  	_ = 	snop  }
0x7: {  	_ = 	snop  }
__scs_overlays_trampoline_lowered:
0x8: {  	[smem:$0x3FA4] =	sst s0  }
0x9: {  	[smem:$0x3FA5] =	sst s1  }
0xa: {  	[smem:$0x3FA6] =	sst s2  }
0xb: {  	[smem:$0x3FA7] =	sst s3  }
0xc: {  	[smem:$0x3FA8] =	sst s4  }
0xd: {  	[smem:$0x3FA9] =	sst s5  }
0xe: {  	[smem:$0x3FAA] =	sst s6  }
0xf: {  	[smem:$0x3FAB] =	sst s7  }
0x10: {  	[smem:$0x3FAC] =	sst s8  }
0x11: {  	[smem:$0x3FAD] =	sst s9;
	s0 =	simm.s32 @!p0 $0x0  }
0x12: {  	s1 =	sld [smem:$0x3F93];
	s0 =	simm.s32 @p0 $0x1  }
0x13: {  	[smem:$0x3FAE] =	sst s0;
	s0 =	simm.s32 @!p1 $0x0  }
0x14: {  	s2 =	sld [smem:$0x3F92];
	s0 =	simm.s32 @p1 $0x1  }
0x15: {  	[smem:$0x3FAF] =	sst s0;
	s0 =	simm.s32 @!p2 $0x0  }
0x16: {  	s3 =	sld [smem:$0x3FDB];
	s0 =	simm.s32 @p2 $0x1  }
0x17: {  	s4 =	simm.s32 $0x1BF5;
	[smem:$0x3FB1] =	sst s0  }
0x18: {  	s0 =	sld [smem:$0x3F94];
	_ =	swait.ge [sflag:s4], $0x0  }
0x19: {  	s7 =	sld [smem:$0x3F95]  }
0x1a: {  	s8 =	sadd.s32 $0xFFFFE003, lr  }
0x1b: {  	s9 =	sadd.s32 $0xFFFFFEF7, lr;
	s5 =	simm.s32 $0xFFFFFFFF;
	p2 =	slt.u32 s8, $0xFFFFF086  }
0x1c: {  	p1 =	slt.u32 s9, $0xF7A;
	s5 =	simm.s32 @!p2 $0x0  }
0x1d: {  	s5 =	simm.s32 @p1 $0x1;
	p0 =	seq.s32 s7, s2  }
0x1e: {  	s7 =	smul.u32 @!p0 $0xF7A, s2;
	p2 =	seq.s32 @!p0 s5, $0x0  }
0x1f: {  	s9 =	smul.u32 $0xF7A, s1;
	s8 =	simm.s32 @!p0 $0x1BF5;
	p2 =	por !p2, p0  }
0x20: {  	[sflag:s8] =	ssyncset.s32 @!p0 $0xFFFFF086;
	s6 =	sadd.s32 @!p0 s3, s7;
	s7 =	simm.s32 @!p0 $0x108  }
0x21: {  	s3 =	sadd.s32 s3, s9;
	s6 =	sadd.s32 @!p0 $0x88, s6;
	s7 =	simm.s32 @p2 $0x1082  }
0x22: {  	[simem:s7], [sflag:s8] =	dma.local @!p0 [hbm:s6], $0xF7A  }
0x23: {  	s9 =	sor.u32 $0xD0000000, s2;
	s6 =	simm.s32 $0x108;
	_ =	swait.ge @!p0 [sflag:s8], $0x0  }
0x24: {  	s3 =	sadd.s32 $0x88, s3;
	s6 =	simm.s32 @!p1 $0x1082;
	[sflag:s4] =	ssyncset.s32 $0xFFFFF086  }
0x25: {  	[simem:s6], [sflag:s4] =	dma.local [hbm:s3], $0xF7A  }
0x26: {  	[smem:$0x3F95] =	sst s1;
	(tag) =	ssettag s2;
	_ =	strace s9  }
0x27: {  	s1 =	sld [smem:$0x3FA5]  }
0x28: {  	s2 =	sld [smem:$0x3FA6]  }
0x29: {  	s4 =	sld [smem:$0x3FA8]  }
0x2a: {  	p0 =	seq.s32 s5, $0x0;
	s5 =	sld [smem:$0x3FA9]  }
0x2b: {  	s6 =	sld [smem:$0x3FAA]  }
0x2c: {  	s7 =	sld [smem:$0x3FAB]  }
0x2d: {  	s3 =	simm.s32 $0x108;
	s8 =	sld [smem:$0x3FAC]  }
0x2e: {  	s3 =	simm.s32 @!p0 $0x1082;
	s9 =	sld [smem:$0x3FAD]  }
0x2f: {  	lr =	sadd.s32 s0, s3;
	s0 =	sld [smem:$0x3FA4]  }
0x30: {  	s3 =	sld [smem:$0x3FA7]  }
0x31: {  	[smem:$0x3FB0] =	sst s10  }
0x32: {  	s10 =	sld [smem:$0x3FAE];
	_ =	sdelay $0x3  }
0x33: {  	p0 =	seq.s32 s10, $0x1;
	s10 =	sld [smem:$0x3FB0];
	_ =	sdelay $0x3  }
0x34: {  	[smem:$0x3FB0] =	sst s10  }
0x35: {  	s10 =	sld [smem:$0x3FAF];
	_ =	sdelay $0x3  }
0x36: {  	p1 =	seq.s32 s10, $0x1;
	s10 =	sld [smem:$0x3FB0];
	_ =	sdelay $0x3  }
0x37: {  	[smem:$0x3FB0] =	sst s10  }
0x38: {  	s10 =	sld [smem:$0x3FB1]  }
0x39: {  	_ = 	snop;
	(pc) =	sbr.ind lr, $3  }
0x3a: {  	_ = 	snop  }
0x3b: {  	_ = 	snop  }
0x3c: {  	p2 =	seq.s32 s10, $0x1;
	s10 =	sld [smem:$0x3FB0]  }
0x3d: {  	_ =	shalt  }
0x3e: {  	_ =	shalt  }
0x3f: {  	_ =	shalt  }
0x40: {  	_ =	shalt  }
0x41: {  	_ =	shalt  }
0x42: {  	_ =	shalt  }
0x43: {  	_ =	shalt  }
0x44: {  	_ =	shalt  }
0x45: {  	_ =	shalt  }
0x46: {  	_ =	shalt  }
0x47: {  	_ =	shalt  }
0x48: {  	_ =	shalt  }
0x49: {  	_ =	shalt  }
0x4a: {  	_ =	shalt  }
0x4b: {  	_ =	shalt  }
0x4c: {  	_ =	shalt  }
0x4d: {  	_ =	shalt  }
0x4e: {  	_ =	shalt  }
0x4f: {  	_ =	shalt  }
0x50: {  	_ =	shalt  }
0x51: {  	_ =	shalt  }
0x52: {  	_ =	shalt  }
0x53: {  	_ =	shalt  }
0x54: {  	_ =	shalt  }
0x55: {  	_ =	shalt  }
0x56: {  	_ =	shalt  }
0x57: {  	_ =	shalt  }
0x58: {  	_ =	shalt  }
0x59: {  	_ =	shalt  }
0x5a: {  	_ =	shalt  }
0x5b: {  	_ =	shalt  }
0x5c: {  	_ =	shalt  }
0x5d: {  	_ =	shalt  }
0x5e: {  	_ =	shalt  }
0x5f: {  	_ =	shalt  }
0x60: {  	_ =	shalt  }
0x61: {  	_ =	shalt  }
0x62: {  	_ =	shalt  }
0x63: {  	_ =	shalt  }
0x64: {  	_ =	shalt  }
0x65: {  	_ =	shalt  }
0x66: {  	_ =	shalt  }
0x67: {  	_ =	shalt  }
0x68: {  	_ =	shalt  }
0x69: {  	_ =	shalt  }
0x6a: {  	_ =	shalt  }
0x6b: {  	_ =	shalt  }
0x6c: {  	_ =	shalt  }
0x6d: {  	_ =	shalt  }
0x6e: {  	_ =	shalt  }
0x6f: {  	_ =	shalt  }
0x70: {  	_ =	shalt  }
0x71: {  	_ =	shalt  }
0x72: {  	_ =	shalt  }
0x73: {  	_ =	shalt  }
0x74: {  	_ =	shalt  }
0x75: {  	_ =	shalt  }
0x76: {  	_ =	shalt  }
0x77: {  	_ =	shalt  }
0x78: {  	_ =	shalt  }
0x79: {  	_ =	shalt  }
0x7a: {  	_ =	shalt  }
0x7b: {  	_ =	shalt  }
0x7c: {  	_ =	shalt  }
0x7d: {  	_ =	shalt  }
0x7e: {  	_ =	shalt  }
0x7f: {  	_ =	shalt  }
0x80: {  	_ =	shalt  }
0x81: {  	_ =	shalt  }
0x82: {  	_ =	shalt  }
0x83: {  	_ =	shalt  }
0x84: {  	_ =	shalt  }
0x85: {  	_ =	shalt  }
0x86: {  	_ =	shalt  }
0x87: {  	_ =	shalt  }
.Lfunc_end0:
.L_simem_size_0:
called_computation_lowered:
.L_overlay_start_0:
0x88: {  	s2 =	sld [smem:$0x3FD9]  }
0x89: {  	s3 =	sld [smem:$0x3FFE];
	_ =	sdelay $0x1  }
0x8a: {  	s1 =	srdreg.scid  }
0x8b: {  	s0 =	sand.u32 $0x1, s1  }
0x8c: {  	s14 =	sshll.u32 s0, $0xA;
	s2 =	sadd.s32 s3, s2  }
0x8d: {  	s2 =	sadd.s32 s2, s14  }
0x8e: {  	[smem:$0x3FBC] =	sst s2  }
0x8f: {  	_ = 	snop  }
0x90: {  	s2 =	sld [smem:$0x3FD0];
	_ =	sdelay $0x2  }
0x91: {  	s15 =	simm.s32 $0xA;
	s4 =	simm.s32 $0x10  }
0x92: {  	[smem:s4], [sflag:s15] =	dma.local [hbm:s2], $0x1  }
0x93: {  	_ =	swait.eq [sflag:s15], $0x1  }
0x94: {  	[sflag:s15] =	ssyncset.done $0x0  }
0x95: {  	s16 =	sld [smem:$0x10];
	[sflag:s15] =	ssyncadd.s32 $0xFFFFFFFF  }
0x96: {  	s17 =	sld [smem:$0x11];
	(tm) =	ssettm $0x1  }
0x97: {  	s18 =	sld [smem:$0x3FFB];
	_ =	sdelay $0x3  }
0x98: {  	_ =	strace s18  }
0x99: {  	s4 =	sld [smem:$0x3FFC];
	_ =	sdelay $0x3  }
0x9a: {  	_ =	strace s4  }
0x9b: {  	s4 =	sld [smem:$0x3FFD];
	_ =	sdelay $0x3  }
0x9c: {  	_ =	strace s4  }
0x9d: {  	_ =	strace $0x8FFFFFFF  }
0x9e: {  	s19 =	sld [smem:$0x3FDB];
	_ =	sdelay $0x1  }
0x9f: {  	s5 =	simm.s32 $_scs_section_size  }
0xa0: {  	s6 =	simm.s32 $_size__tile_overlayer_lowered;
	s7 =	simm.s32 $_tile_overlayer_lowered  }
0xa1: {  	s22 =	simm.s32 $0x1BFF;
	s21 =	sshll.u32 s7, $0x1;
	s4 =	sadd.s32 s5, s19  }
0xa2: {  	s8 =	simm.s32 $0x0;
	s20 =	sshll.u32 s6, $0x1;
	s6 =	sadd.s32 s21, s4  }
0xa3: {  	[timem:s8], [sflag:s22] =	dma.local [hbm:s6], s20  }
0xa4: {  	_ =	swait.ge [sflag:s22], s20  }
0xa5: {  	s5 =	ssub.s32 $0x0, s20;
	[sflag:s22] =	ssyncset.done $0x0  }
0xa6: {  	[sflag:s22] =	ssyncadd.s32 s5;
	_ =	sdelay $0x1  }
0xa7: {  	s23 =	simm.s32 $0x1B8B  }
0xa8: {  	_ =	swait.ge [sflag:s23], $0x1  }
0xa9: {  	[sflag:s23] =	ssyncset.done $0x0  }
0xaa: {  	s25 =	simm.s32 $0x1B8E;
	s24 =	sld [smem:$0x3FFE];
	[sflag:s23] =	ssyncadd.s32 $0xFFFFFFFF  }
0xab: {  	s26 =	simm.s32 $execute0_lowered;
	[smem:$0x3FD2] =	sst s25  }
0xac: {  	s6 =	sshll.u32 s26, $0x1;
	_ =	strace $0x80000046;
	[dreg:$0x1] =	wrdreg $0xFFFFFFFF  }
0xad: {  	s28 =	simm.s32 $_size_execute0_lowered;
	s4 =	sadd.s32 s4, s6;
	[dreg:$0x0] =	wrdreg $0x0  }
0xae: {  	s6 =	sshll.u32 s28, $0x1;
	[dreg:$0x2] =	wrdreg s4  }
0xaf: {  	[dreg:$0x3] =	wrdreg s6  }
0xb0: {  	[dreg:$0x4] =	wrdreg $0xC0  }
0xb1: {  	_ =	task [dreg:s8], $0x5FFFF  }
0xb2: {  	[dreg:$0x1] =	wrdreg $0xFFFFFFFF  }
0xb3: {  	[dreg:$0x0] =	wrdreg $0x60  }
0xb4: {  	[dreg:$0x2] =	wrdreg s24  }
0xb5: {  	[dreg:$0x3] =	wrdreg s16  }
0xb6: {  	[dreg:$0x4] =	wrdreg s17  }
0xb7: {  	[dreg:$0x5] =	wrdreg $0x9  }
0xb8: {  	_ =	task.clear_ibuf [dreg:s8], $0x6FFFF;
	_ =	strace $0x90000046  }
0xb9: {  	s29 =	simm.s32 $0x9;
	_ =	strace $0x80000048  }
0xba: {  	_ =	swait.ge [sflag:s29], $0x1  }
0xbb: {  	[sflag:s29] =	ssyncadd.s32 $0xFFFFFFFF  }
0xbc: {  	_ =	strace $0x90000048  }
0xbd: {  	_ =	sfence  }
0xbe: {  	s30 =	sld [smem:$0x0];
	_ =	sdelay $0x2  }
0xbf: {  	s31 =	sshll.u32 s1, $0xD;
	s1 =	sshrl.u32 s1, $0x2  }
0xc0: {  	s3 =	sand.u32 $0x4000, s31;
	s1 =	sadd.s32 s1, s30  }
0xc1: {  	s0 =	sor.u32 s3, s0;
	s1 =	sshll.u32 s1, $0x11  }
0xc2: {  	s0 =	sor.u32 s1, s0  }
0xc3: {  	s0 =	sadd.s32 $0x8F2B, s0  }
0xc4: {  	[sflag:s0] =	ssyncadd.remote.s32 $0x1  }
0xc5: {  	_ =	sfence.sel $0xFFFF  }
0xc6: {  	[dreg:$0x0] =	wrdreg $0xFFFFFFFF;
	(pc) =	sbr.abs _section_cstart, $3  }
0xc7: {  	[dreg:$0x1] =	wrdreg $0xFFFFFFFF  }
0xc8: {  	_ =	task.clear_ibuf [dreg:s8], $0x2FFFF;
	_ =	strace $0x9FFFFFFF  }
0xc9: {  	(tm) =	ssettm $0x7FFFFFFF  }
tec
execute0_lowered:
.L_overlay_start_1:
0x0: {  	(tag) =	ssettag $0x1  }
0x1: {  	s7 =	rddreg [dreg:$0x0]  }
0x2: {  	s2 =	rddreg [dreg:$0x1]  }
0x3: {  	s3 =	rddreg [dreg:$0x2]  }
0x4: {  	s0 =	rddreg [dreg:$0x3];
	s1 =	srdreg.scid;
	_ =	strace $0x80000047  }
0x5: {  	s4 =	simm.s32 $0x1;
	s9 =	simm.s32 $0x3;
	s5 =	sshll.u32 s1, $0x4  }
.Ltmp0:
0x6: {  	s1 =	stileid.u32;
	s5 =	sand.u32 $0x10, s5;
	(pc) =	sbr.rel .LBB2_1-.Ltmp0, $4  }
0x7: {  	s12 =	simm.s32 $0x0;
	s10 =	simm.s32 $0x0;
	s6 =	sor.u32 s1, s5  }
0x8: {  	[sflag:s4] =	ssyncpa.u1 $0x0;
	s5 =	simm.s32 $0x2;
	s6 =	sshll.u32 s6, $0x8  }
0x9: {  	s7 =	sadd.s32 $0x6E00, s7;
	[sflag:s5] =	ssyncpa.u1 $0x0;
	s8 =	sadd.s32 $0x100, s6  }
0xa: {  	vm0 =	vmmov $0xff;
	vm1 =	vcmask $0x3F20;
	[sflag:s9] =	ssyncpa.u1 $0x0;
	s9 =	simm.s32 $0x100;
	s11 =	smov.u32 s6  }
.LBB2_9:
0xb: {  	p0 =	seq.s32 s10, $0x2  }
.Ltmp1:
0xc: {  	_ = 	snop;
	(pc) =	sbr.rel @p0 .LBB2_11-.Ltmp1, $1  }
0xd: {  	_ =	sdelay $0x3  }
.LBB2_10:
0xe: {  	s12 =	sadd.s32 $0x100, s11  }
0xf: {  	s13 =	smov.u32 s6;
	p0 =	slt.s32 s12, s8  }
0x10: {  	s13 =	smov.u32 @p0 s12  }
0x11: {  	s10 =	sadd.s32 $0x1, s10;
	s12 =	smov.u32 s11;
	s11 =	smov.u32 s13  }
.LBB2_1:
0x12: {  	p0 =	sne.s32 s10, $0x0  }
.Ltmp2:
0x13: {  	_ = 	snop;
	(pc) =	sbr.rel @!p0 .LBB2_2-.Ltmp2, $1  }
0x14: {  	_ =	sdelay $0x3  }
0x15: {  	s13 =	sand.u32 $0x1, s10  }
0x16: {  	p0 =	seq.s32 s13, $0x0  }
.Ltmp3:
0x17: {  	_ = 	snop;
	(pc) =	sbr.rel @p0 .LBB2_9-.Ltmp3, $1  }
0x18: {  	_ =	sdelay $0x3  }
0x19: {  	_ =	swait.ge [sflag:s5], $0x100  }
0x1a: {  	[sflag:s5] =	ssyncset.done $0x0  }
0x1b: {  	s13 =	simm.s32 $0x0;
	[sflag:s5] =	ssyncadd.s32 $0xFFFFFF00  }
0x1c: {  	v0 =	vld.msk [tilespmem:s13+$0x100 ss:$0x1], $0xffff;
	_ =	sdelay $0x4  }
0x1d: {  	v1 =	vshll.u32 v0, $0x3  }
0x1e: {  	vm2 =	veq.s32 v0, $0x80000000;
	v0 =	vshll.u32 v0, $0x13;
	v1 =	vand.u32 $0x7FF80, v1  }
0x1f: {  	v0 =	vand.u32 $0x780000, v0;
	v1 =	vsel vm2, $0xFFFFFF80, v1  }
0x20: {  	v0 =	vsel vm2, $0xFFF80000, v0;
	v2 =	vand.u32 $0xFFFFFC00, v1  }
0x21: {  	v1 =	vand.u32 $0x380, v1;
	v0 =	vadd.s32 v0, v2  }
0x22: {  	v0 =	vor.u32 v1, v0  }
0x23: {  	v0 =	vshrl.u32 v0, $0x3;
	_ =	sdelay $0x3  }
0x24: {  	s13 =	simm.s32 $0x8200  }
0x25: {  	[tilespmem:s13], [sflag:$0x1] =	stream.indirect_vreg.gather [hbm:s7], $0x80, v0, vm0, $0x38;
	[tilespmem:$0x10200] =	vst v63  }
0x26: {  	s14 =	simm.s32 $0x8600;
	s31 =	simm.s32 $0x10  }
0x27: {  	[tilespmem:s14], [sflag:$0x1] =	stream.indirect_vreg.gather [hbm:s7], $0x80, v0, vm1, $0x38;
	[tilespmem:$0x10200] =	vst v63  }
0x28: {  	s14 =	simm.s32 $0x80;
	v0 =	vld.msk [tilespmem:s31+$0x100 ss:$0x1], $0xffff  }
.LBB2_5:
0x29: {  	p0 =	sne.s32 s14, $0x3C0;
	_ =	sdelay $0x4  }
0x2a: {  	v1 =	vshll.u32 v0, $0x3  }
0x2b: {  	vm2 =	veq.s32 v0, $0x80000000;
	v0 =	vshll.u32 v0, $0x13;
	v1 =	vand.u32 $0x7FF80, v1  }
0x2c: {  	v0 =	vand.u32 $0x780000, v0;
	v1 =	vsel vm2, $0xFFFFFF80, v1  }
0x2d: {  	v0 =	vsel vm2, $0xFFF80000, v0;
	v2 =	vand.u32 $0xFFFFFC00, v1  }
0x2e: {  	v1 =	vand.u32 $0x380, v1;
	v0 =	vadd.s32 v0, v2  }
0x2f: {  	v0 =	vor.u32 v1, v0  }
0x30: {  	v0 =	vshrl.u32 v0, $0x3;
	_ =	sdelay $0x3  }
.Ltmp4:
0x31: {  	s13 =	sadd.s32 $0x800, s13;
	(pc) =	sbr.rel @p0 .LBB2_5-.Ltmp4, $4  }
0x32: {  	[tilespmem:s13], [sflag:$0x1] =	stream.indirect_vreg.gather [hbm:s7], $0x80, v0, vm0, $0x38;
	[tilespmem:$0x10200] =	vst v63  }
0x33: {  	s15 =	sshra.s32 s14, $0x2;
	s16 =	sadd.s32 $0x400, s13  }
0x34: {  	[tilespmem:s16], [sflag:$0x1] =	stream.indirect_vreg.gather [hbm:s7], $0x80, v0, vm1, $0x38;
	[tilespmem:$0x10200] =	vst v63  }
0x35: {  	s14 =	sadd.s32 $0x40, s14;
	v0 =	vld.msk [tilespmem:s15+$0x100 ss:$0x1], $0xffff  }
0x36: {  	_ =	sdelay $0x3  }
0x37: {  	v1 =	vshll.u32 v0, $0x3  }
0x38: {  	vm2 =	veq.s32 v0, $0x80000000;
	v63 =	vshll.u32 v0, $0x13;
	v1 =	vand.u32 $0x7FF80, v1  }
0x39: {  	v0 =	vand.u32 $0x780000, v63;
	v1 =	vsel vm2, $0xFFFFFF80, v1  }
0x3a: {  	v0 =	vsel vm2, $0xFFF80000, v0;
	v2 =	vand.u32 $0xFFFFFC00, v1  }
0x3b: {  	v1 =	vand.u32 $0x380, v1;
	v0 =	vadd.s32 v0, v2  }
0x3c: {  	v0 =	vor.u32 v1, v0  }
0x3d: {  	v0 =	vshrl.u32 v0, $0x3;
	_ =	sdelay $0x3  }
0x3e: {  	s13 =	sadd.s32 $0x800, s13  }
0x3f: {  	[tilespmem:s13], [sflag:$0x1] =	stream.indirect_vreg.gather [hbm:s7], $0x80, v0, vm0, $0x38;
	[tilespmem:$0x10200] =	vst v63  }
0x40: {  	s13 =	sadd.s32 $0x400, s13  }
0x41: {  	[tilespmem:s13], [sflag:$0x1] =	stream.indirect_vreg.gather [hbm:s7], $0x80, v0, vm1, $0x38;
	[tilespmem:$0x10200] =	vst v63  }
0x42: {  	s12 =	sshll.u32 s12, $0x4;
	s14 =	simm.s32 $0x80;
	_ =	swait.ge [sflag:s4], $0x8000  }
0x43: {  	s15 =	simm.s32 $0x8600;
	s12 =	sadd.s32 s12, s3;
	[sflag:s4] =	ssyncset.done $0x0  }
0x44: {  	s16 =	sadd.s32 $0x0, s12;
	s13 =	simm.s32 $0x8200;
	[sflag:s4] =	ssyncadd.s32 $0xFFFF8000  }
.LBB2_7:
0x45: {  	[hbm:s16] =	stream.linear.scatter [tilespmem:s13], [sflag:$0x3], $0x400, $0x38;
	[tilespmem:$0x10200] =	vst v63  }
0x46: {  	s16 =	smov.u32 s14;
	s13 =	smov.u32 s15;
	p0 =	sne.s32 s14, $0xF80  }
.Ltmp5:
0x47: {  	s14 =	sadd.s32 $0x80, s14;
	(pc) =	sbr.rel @p0 .LBB2_7-.Ltmp5, $2  }
0x48: {  	_ =	sdelay $0x2  }
0x49: {  	s15 =	sadd.s32 $0x400, s15;
	s16 =	sadd.s32 s16, s12  }
.Ltmp6:
0x4a: {  	(pc) =	sbr.rel .LBB2_9-.Ltmp6, $2  }
0x4b: {  	_ =	sdelay $0x2  }
0x4c: {  	[hbm:s16] =	stream.linear.scatter [tilespmem:s13], [sflag:$0x3], $0x400, $0x38;
	[tilespmem:$0x10200] =	vst v63  }
.LBB2_2:
.Ltmp7:
0x4d: {  	(pc) =	sbr.rel .LBB2_10-.Ltmp7, $4  }
0x4e: {  	_ = 	snop  }
0x4f: {  	s12 =	sshrl.u32 s11, $0x3  }
0x50: {  	s13 =	sand.u32 $0x7, s11;
	s12 =	sadd.s32 s2, s12  }
0x51: {  	[tilespmem:s9], [sflag:$0x2] =	stream.linear.gather [hbm4b:s12+s13], $0x100, $0x38;
	[tilespmem:$0x10200] =	vst v63  }
.LBB2_11:
0x52: {  	s2 =	simm.s32 $0x3  }
0x53: {  	_ =	swait.ge [sflag:s2], $0x8000  }
0x54: {  	[sflag:s2] =	ssyncset.done $0x0  }
0x55: {  	[sflag:s2] =	ssyncadd.s32 $0xFFFF8000  }
0x56: {  	_ =	sfence.sel $0x180000  }
0x57: {  	s3 =	simm.s32 $0x2;
	[bflag:$0x0] =	sbarrier.arrive $0xFFFF  }
0x58: {  	[sflag:s3] =	ssyncpa.u1 $0x1  }
0x59: {  	s31 =	simm.s32 $0x1;
	[sflag:s2] =	ssyncpa.u1 $0x1  }
0x5a: {  	[sflag:s31] =	ssyncpa.u1 $0x1  }
0x5b: {  	p0 =	sne.s32 s1, $0x0;
	_ =	strace $0x90000047  }
0x5c: {  	s0 =	sadd.s32 @!p0 $0x100000, s0;
	[bflag:$0x2] =	sbarrier.arrive $0xFFFF  }
0x5d: {  	[sflag:s0] =	ssyncadd.tile.s32 @!p0 $0x1;
	_ =	shalt  }
.Lfunc_end2:
_tile_overlayer_lowered:
.L_overlay_start_2:
0x5e: {  	(tag) =	ssettag $0x2  }
0x5f: {  	s0 =	rddreg [dreg:$0x0];
	s2 =	stileid.u32  }
0x60: {  	s1 =	rddreg [dreg:$0x1];
	p0 =	sne.s32 s2, $0x0  }
0x61: {  	s3 =	rddreg [dreg:$0x2];
	[bflag:$0x3] =	sbarrier.arrive $0xFFFF;
	s2 =	simm.s32 @!p0 $0x1C01  }
0x62: {  	[timem:s3], [sflag:s2] =	dma.local @!p0 [hbm:s0], s1  }
0x63: {  	s0 =	simm.s32 @!p0 $0x1  }
0x64: {  	_ =	swait.ge @!p0 [sflag:s0], s1  }
0x65: {  	s1 =	ssub.s32 @!p0 $0x0, s1;
	[sflag:s0] =	ssyncset.done @!p0 $0x0  }
0x66: {  	[sflag:s0] =	ssyncadd.s32 @!p0 s1  }
0x67: {  	[bflag:$0x3] =	sbarrier.arrive $0xFFFF  }
0x68: {  	_ =	shalt  }

// kernel: kernel.7.cloned.1.call-start
scs
__scs_entry_jumppad:
0x0: {  	(pc) =	sbr.rel $0x88, $3  }
0x1: {  	(tag) =	ssettag $0x0;
	lr =	simm.s32 $0x1  }
0x2: {  	[smem:$0x3F95] =	sst lr;
	_ =	strace $0xD0000000  }
0x3: {  	_ = 	snop  }
0x4: {  	_ = 	snop  }
0x5: {  	_ = 	snop  }
0x6: {  	_ = 	snop  }
0x7: {  	_ = 	snop  }
__scs_overlays_trampoline_lowered:
0x8: {  	[smem:$0x3FA4] =	sst s0  }
0x9: {  	[smem:$0x3FA5] =	sst s1  }
0xa: {  	[smem:$0x3FA6] =	sst s2  }
0xb: {  	[smem:$0x3FA7] =	sst s3  }
0xc: {  	[smem:$0x3FA8] =	sst s4  }
0xd: {  	[smem:$0x3FA9] =	sst s5  }
0xe: {  	[smem:$0x3FAA] =	sst s6  }
0xf: {  	[smem:$0x3FAB] =	sst s7  }
0x10: {  	[smem:$0x3FAC] =	sst s8  }
0x11: {  	[smem:$0x3FAD] =	sst s9;
	s0 =	simm.s32 @!p0 $0x0  }
0x12: {  	s1 =	sld [smem:$0x3F93];
	s0 =	simm.s32 @p0 $0x1  }
0x13: {  	[smem:$0x3FAE] =	sst s0;
	s0 =	simm.s32 @!p1 $0x0  }
0x14: {  	s2 =	sld [smem:$0x3F92];
	s0 =	simm.s32 @p1 $0x1  }
0x15: {  	[smem:$0x3FAF] =	sst s0;
	s0 =	simm.s32 @!p2 $0x0  }
0x16: {  	s3 =	sld [smem:$0x3FDB];
	s0 =	simm.s32 @p2 $0x1  }
0x17: {  	s4 =	simm.s32 $0x1BF5;
	[smem:$0x3FB1] =	sst s0  }
0x18: {  	s0 =	sld [smem:$0x3F94];
	_ =	swait.ge [sflag:s4], $0x0  }
0x19: {  	s7 =	sld [smem:$0x3F95]  }
0x1a: {  	s8 =	sadd.s32 $0xFFFFE003, lr  }
0x1b: {  	s9 =	sadd.s32 $0xFFFFFEF7, lr;
	s5 =	simm.s32 $0xFFFFFFFF;
	p2 =	slt.u32 s8, $0xFFFFF086  }
0x1c: {  	p1 =	slt.u32 s9, $0xF7A;
	s5 =	simm.s32 @!p2 $0x0  }
0x1d: {  	s5 =	simm.s32 @p1 $0x1;
	p0 =	seq.s32 s7, s2  }
0x1e: {  	s7 =	smul.u32 @!p0 $0xF7A, s2;
	p2 =	seq.s32 @!p0 s5, $0x0  }
0x1f: {  	s9 =	smul.u32 $0xF7A, s1;
	s8 =	simm.s32 @!p0 $0x1BF5;
	p2 =	por !p2, p0  }
0x20: {  	[sflag:s8] =	ssyncset.s32 @!p0 $0xFFFFF086;
	s6 =	sadd.s32 @!p0 s3, s7;
	s7 =	simm.s32 @!p0 $0x108  }
0x21: {  	s3 =	sadd.s32 s3, s9;
	s6 =	sadd.s32 @!p0 $0x88, s6;
	s7 =	simm.s32 @p2 $0x1082  }
0x22: {  	[simem:s7], [sflag:s8] =	dma.local @!p0 [hbm:s6], $0xF7A  }
0x23: {  	s9 =	sor.u32 $0xD0000000, s2;
	s6 =	simm.s32 $0x108;
	_ =	swait.ge @!p0 [sflag:s8], $0x0  }
0x24: {  	s3 =	sadd.s32 $0x88, s3;
	s6 =	simm.s32 @!p1 $0x1082;
	[sflag:s4] =	ssyncset.s32 $0xFFFFF086  }
0x25: {  	[simem:s6], [sflag:s4] =	dma.local [hbm:s3], $0xF7A  }
0x26: {  	[smem:$0x3F95] =	sst s1;
	(tag) =	ssettag s2;
	_ =	strace s9  }
0x27: {  	s1 =	sld [smem:$0x3FA5]  }
0x28: {  	s2 =	sld [smem:$0x3FA6]  }
0x29: {  	s4 =	sld [smem:$0x3FA8]  }
0x2a: {  	p0 =	seq.s32 s5, $0x0;
	s5 =	sld [smem:$0x3FA9]  }
0x2b: {  	s6 =	sld [smem:$0x3FAA]  }
0x2c: {  	s7 =	sld [smem:$0x3FAB]  }
0x2d: {  	s3 =	simm.s32 $0x108;
	s8 =	sld [smem:$0x3FAC]  }
0x2e: {  	s3 =	simm.s32 @!p0 $0x1082;
	s9 =	sld [smem:$0x3FAD]  }
0x2f: {  	lr =	sadd.s32 s0, s3;
	s0 =	sld [smem:$0x3FA4]  }
0x30: {  	s3 =	sld [smem:$0x3FA7]  }
0x31: {  	[smem:$0x3FB0] =	sst s10  }
0x32: {  	s10 =	sld [smem:$0x3FAE];
	_ =	sdelay $0x3  }
0x33: {  	p0 =	seq.s32 s10, $0x1;
	s10 =	sld [smem:$0x3FB0];
	_ =	sdelay $0x3  }
0x34: {  	[smem:$0x3FB0] =	sst s10  }
0x35: {  	s10 =	sld [smem:$0x3FAF];
	_ =	sdelay $0x3  }
0x36: {  	p1 =	seq.s32 s10, $0x1;
	s10 =	sld [smem:$0x3FB0];
	_ =	sdelay $0x3  }
0x37: {  	[smem:$0x3FB0] =	sst s10  }
0x38: {  	s10 =	sld [smem:$0x3FB1]  }
0x39: {  	_ = 	snop;
	(pc) =	sbr.ind lr, $3  }
0x3a: {  	_ = 	snop  }
0x3b: {  	_ = 	snop  }
0x3c: {  	p2 =	seq.s32 s10, $0x1;
	s10 =	sld [smem:$0x3FB0]  }
0x3d: {  	_ =	shalt  }
0x3e: {  	_ =	shalt  }
0x3f: {  	_ =	shalt  }
0x40: {  	_ =	shalt  }
0x41: {  	_ =	shalt  }
0x42: {  	_ =	shalt  }
0x43: {  	_ =	shalt  }
0x44: {  	_ =	shalt  }
0x45: {  	_ =	shalt  }
0x46: {  	_ =	shalt  }
0x47: {  	_ =	shalt  }
0x48: {  	_ =	shalt  }
0x49: {  	_ =	shalt  }
0x4a: {  	_ =	shalt  }
0x4b: {  	_ =	shalt  }
0x4c: {  	_ =	shalt  }
0x4d: {  	_ =	shalt  }
0x4e: {  	_ =	shalt  }
0x4f: {  	_ =	shalt  }
0x50: {  	_ =	shalt  }
0x51: {  	_ =	shalt  }
0x52: {  	_ =	shalt  }
0x53: {  	_ =	shalt  }
0x54: {  	_ =	shalt  }
0x55: {  	_ =	shalt  }
0x56: {  	_ =	shalt  }
0x57: {  	_ =	shalt  }
0x58: {  	_ =	shalt  }
0x59: {  	_ =	shalt  }
0x5a: {  	_ =	shalt  }
0x5b: {  	_ =	shalt  }
0x5c: {  	_ =	shalt  }
0x5d: {  	_ =	shalt  }
0x5e: {  	_ =	shalt  }
0x5f: {  	_ =	shalt  }
0x60: {  	_ =	shalt  }
0x61: {  	_ =	shalt  }
0x62: {  	_ =	shalt  }
0x63: {  	_ =	shalt  }
0x64: {  	_ =	shalt  }
0x65: {  	_ =	shalt  }
0x66: {  	_ =	shalt  }
0x67: {  	_ =	shalt  }
0x68: {  	_ =	shalt  }
0x69: {  	_ =	shalt  }
0x6a: {  	_ =	shalt  }
0x6b: {  	_ =	shalt  }
0x6c: {  	_ =	shalt  }
0x6d: {  	_ =	shalt  }
0x6e: {  	_ =	shalt  }
0x6f: {  	_ =	shalt  }
0x70: {  	_ =	shalt  }
0x71: {  	_ =	shalt  }
0x72: {  	_ =	shalt  }
0x73: {  	_ =	shalt  }
0x74: {  	_ =	shalt  }
0x75: {  	_ =	shalt  }
0x76: {  	_ =	shalt  }
0x77: {  	_ =	shalt  }
0x78: {  	_ =	shalt  }
0x79: {  	_ =	shalt  }
0x7a: {  	_ =	shalt  }
0x7b: {  	_ =	shalt  }
0x7c: {  	_ =	shalt  }
0x7d: {  	_ =	shalt  }
0x7e: {  	_ =	shalt  }
0x7f: {  	_ =	shalt  }
0x80: {  	_ =	shalt  }
0x81: {  	_ =	shalt  }
0x82: {  	_ =	shalt  }
0x83: {  	_ =	shalt  }
0x84: {  	_ =	shalt  }
0x85: {  	_ =	shalt  }
0x86: {  	_ =	shalt  }
0x87: {  	_ =	shalt  }
.Lfunc_end0:
.L_simem_size_0:
called_computation.1_lowered:
.L_overlay_start_0:
0x88: {  	s2 =	sld [smem:$0x3FD9]  }
0x89: {  	s3 =	sld [smem:$0x3FFE];
	_ =	sdelay $0x1  }
0x8a: {  	s1 =	srdreg.scid  }
0x8b: {  	s0 =	sand.u32 $0x1, s1  }
0x8c: {  	s14 =	sshll.u32 s0, $0xA;
	s2 =	sadd.s32 s3, s2  }
0x8d: {  	s2 =	sadd.s32 s2, s14  }
0x8e: {  	[smem:$0x3FBC] =	sst s2  }
0x8f: {  	_ = 	snop  }
0x90: {  	s2 =	sld [smem:$0x3FD0];
	_ =	sdelay $0x2  }
0x91: {  	s15 =	simm.s32 $0xA;
	s4 =	simm.s32 $0x10  }
0x92: {  	[smem:s4], [sflag:s15] =	dma.local [hbm:s2], $0x1  }
0x93: {  	_ =	swait.eq [sflag:s15], $0x1  }
0x94: {  	[sflag:s15] =	ssyncset.done $0x0  }
0x95: {  	[sflag:s15] =	ssyncadd.s32 $0xFFFFFFFF  }
0x96: {  	s16 =	sld [smem:$0x11];
	(tm) =	ssettm $0x1  }
0x97: {  	s17 =	sld [smem:$0x3FFB];
	_ =	sdelay $0x3  }
0x98: {  	_ =	strace s17  }
0x99: {  	s3 =	sld [smem:$0x3FFC];
	_ =	sdelay $0x3  }
0x9a: {  	_ =	strace s3  }
0x9b: {  	s3 =	sld [smem:$0x3FFD];
	_ =	sdelay $0x3  }
0x9c: {  	_ =	strace s3  }
0x9d: {  	_ =	strace $0x8FFFFFFF  }
0x9e: {  	s18 =	sld [smem:$0x3FDB];
	_ =	sdelay $0x1  }
0x9f: {  	s19 =	simm.s32 $_scs_section_size  }
0xa0: {  	s5 =	simm.s32 $_size__tile_overlayer_lowered;
	s6 =	simm.s32 $_tile_overlayer_lowered  }
0xa1: {  	s22 =	simm.s32 $0x1BFF;
	s21 =	sshll.u32 s6, $0x1;
	s3 =	sadd.s32 s19, s18  }
0xa2: {  	s7 =	simm.s32 $0x0;
	s20 =	sshll.u32 s5, $0x1;
	s5 =	sadd.s32 s21, s3  }
0xa3: {  	[timem:s7], [sflag:s22] =	dma.local [hbm:s5], s20  }
0xa4: {  	_ =	swait.ge [sflag:s22], s20  }
0xa5: {  	s4 =	ssub.s32 $0x0, s20;
	[sflag:s22] =	ssyncset.done $0x0  }
0xa6: {  	[sflag:s22] =	ssyncadd.s32 s4;
	_ =	sdelay $0x1  }
0xa7: {  	s23 =	simm.s32 $0x1B8B  }
0xa8: {  	_ =	swait.ge [sflag:s23], $0x1  }
0xa9: {  	[sflag:s23] =	ssyncset.done $0x0  }
0xaa: {  	s25 =	simm.s32 $0x1B8E;
	s24 =	sld [smem:$0x3FFE];
	[sflag:s23] =	ssyncadd.s32 $0xFFFFFFFF  }
0xab: {  	s26 =	simm.s32 $execute0_lowered;
	[smem:$0x3FD2] =	sst s25  }
0xac: {  	s5 =	sshll.u32 s26, $0x1;
	_ =	strace $0x80000049;
	[dreg:$0x1] =	wrdreg $0xFFFFFFFF  }
0xad: {  	s28 =	simm.s32 $_size_execute0_lowered;
	s3 =	sadd.s32 s3, s5;
	[dreg:$0x0] =	wrdreg $0x0  }
0xae: {  	s5 =	sshll.u32 s28, $0x1;
	[dreg:$0x2] =	wrdreg s3  }
0xaf: {  	[dreg:$0x3] =	wrdreg s5  }
0xb0: {  	[dreg:$0x4] =	wrdreg $0xC0  }
0xb1: {  	_ =	task [dreg:s7], $0x5FFFF  }
0xb2: {  	[dreg:$0x1] =	wrdreg $0xFFFFFFFF  }
0xb3: {  	[dreg:$0x0] =	wrdreg $0x60  }
0xb4: {  	[dreg:$0x2] =	wrdreg s24  }
0xb5: {  	[dreg:$0x3] =	wrdreg s16  }
0xb6: {  	[dreg:$0x4] =	wrdreg $0x9  }
0xb7: {  	_ =	task.clear_ibuf [dreg:s7], $0x5FFFF;
	_ =	strace $0x90000049  }
0xb8: {  	s29 =	simm.s32 $0x9;
	_ =	strace $0x8000004B  }
0xb9: {  	_ =	swait.ge [sflag:s29], $0x1  }
0xba: {  	[sflag:s29] =	ssyncadd.s32 $0xFFFFFFFF  }
0xbb: {  	_ =	strace $0x9000004B  }
0xbc: {  	_ =	sfence  }
0xbd: {  	s30 =	sld [smem:$0x0];
	_ =	sdelay $0x2  }
0xbe: {  	s31 =	sshll.u32 s1, $0xD;
	s1 =	sshrl.u32 s1, $0x2  }
0xbf: {  	s3 =	sand.u32 $0x4000, s31;
	s1 =	sadd.s32 s1, s30  }
0xc0: {  	s0 =	sor.u32 s3, s0;
	s1 =	sshll.u32 s1, $0x11  }
0xc1: {  	s0 =	sor.u32 s1, s0  }
0xc2: {  	s0 =	sadd.s32 $0x8F2B, s0  }
0xc3: {  	[sflag:s0] =	ssyncadd.remote.s32 $0x1  }
0xc4: {  	_ =	sfence.sel $0xFFFF  }
0xc5: {  	[dreg:$0x0] =	wrdreg $0xFFFFFFFF;
	(pc) =	sbr.abs _section_cstart, $3  }
0xc6: {  	[dreg:$0x1] =	wrdreg $0xFFFFFFFF  }
0xc7: {  	_ =	task.clear_ibuf [dreg:s7], $0x2FFFF;
	_ =	strace $0x9FFFFFFF  }
0xc8: {  	(tm) =	ssettm $0x7FFFFFFF  }
0xc9: {  	_ =	shalt  }
tec
execute0_lowered:
.L_overlay_start_1:
0x0: {  	(tag) =	ssettag $0x1  }
0x1: {  	s0 =	srdreg.scid  }
0x2: {  	s3 =	stileid.u32;
	s2 =	simm.s32 $0x1;
	s6 =	rddreg [dreg:$0x0]  }
0x3: {  	s11 =	rddreg [dreg:$0x1];
	s15 =	simm.s32 $0x80;
	s16 =	simm.s32 $0x400  }
0x4: {  	s17 =	simm.s32 $0x2;
	s20 =	simm.s32 $0x7000;
	s21 =	simm.s32 $0x7100  }
0x5: {  	s22 =	simm.s32 $0x7200;
	s24 =	simm.s32 $0x7400;
	s25 =	simm.s32 $0x20  }
0x6: {  	s26 =	simm.s32 $0x7480;
	s0 =	sand.u32 $0x1, s0;
	s1 =	sshll.u32 s3, $0x1  }
0x7: {  	s29 =	simm.s32 $0x0;
	s30 =	simm.s32 $0x0;
	s1 =	sor.u32 s0, s1  }
0x8: {  	p1 =	seq.s32 s0, $0x1;
	s7 =	sshll.u32 s0, $0xB;
	p0 =	seq.s32 s1, $0x0  }
0x9: {  	s0 =	ssub.s32 $0x2, s0;
	s31 =	sshll.u32 s1, $0x11;
	p0 =	por !p0, !p1  }
0xa: {  	s1 =	sshll.u32 s1, $0x4;
	s9 =	sshrl.u32 s0, $0x1;
	p0 =	por !p0, !p0  }
0xb: {  	s14 =	sadd.s32 s31, s6;
	s1 =	sadd.s32 s1, s6;
	s2 =	simm.s32 @!p0 $0x0  }
0xc: {  	s0 =	ssub.s32 s0, s9;
	s12 =	ssub.s32 s3, s2;
	s2 =	simm.s32 $0x0  }
0xd: {  	s3 =	sshrl.u32 s12, $0x3;
	s4 =	sshll.u32 s12, $0x7;
	[smem:$0x7FF] =	sst s2  }
0xe: {  	s18 =	sshll.u32 s12, $0xC;
	s12 =	sadd.s32 $0x307000, s14;
	s14 =	smax.u32 s0, $0x1  }
0xf: {  	s5 =	sshll.u32 s3, $0xC;
	s4 =	sand.u32 $0x380, s4;
	s3 =	sshll.u32 s3, $0xF  }
0x10: {  	_ =	strace $0x8000004A;
	s5 =	sor.u32 s7, s5;
	s3 =	sor.u32 s4, s3  }
0x11: {  	s4 =	sor.u32 s4, s5;
	s28 =	sshrl.u32 s3, $0x3;
	s3 =	simm.s32 $0x1  }
0x12: {  	s5 =	sadd.s32 $0x207000, s6;
	s13 =	sshrl.u32 s4, $0x3;
	s8 =	sadd.s32 s28, s6  }
0x13: {  	s4 =	sadd.s32 $0x106E00, s6;
	s10 =	sadd.s32 s13, s6;
	s6 =	sadd.s32 $0x4E00, s8  }
0x14: {  	v0 =	vlaneseq.u32;
	s7 =	sadd.s32 $0x2E00, s8;
	s8 =	sadd.s32 $0xE00, s8;
	s11 =	sadd.s32 s11, s13  }
0x15: {  	v2 =	vimm.s32 $0x0;
	v3 =	vor.u32 $0x10, v0;
	v1 =	vmov s18;
	s13 =	sadd.s32 $0x7600, s1;
	s9 =	sadd.s32 $0x7200, s10;
	s10 =	sadd.s32 $0x6E00, s10  }
.LBB2_1:
0x16: {  	[tilespmem:s2], [sflag:$0x2] =	stream.strided.gather [hbm4b:s6+s15], $0x1000, s16, s15, $0x38;
	[tilespmem:$0x8500] =	vst v63  }
0x17: {  	_ =	swait.ge [sflag:s17], $0x1000  }
0x18: {  	[sflag:s17] =	ssyncset.done $0x0  }
0x19: {  	s0 =	simm.s32 $0x1000;
	[sflag:s17] =	ssyncadd.s32 $0xFFFFF000  }
0x1a: {  	[tilespmem:s0], [sflag:$0x2] =	stream.strided.gather [hbm4b:s7+s15], $0x1000, s16, s15, $0x38;
	[tilespmem:$0x8500] =	vst v63  }
0x1b: {  	_ =	swait.ge [sflag:s17], $0x1000  }
0x1c: {  	[sflag:s17] =	ssyncset.done $0x0  }
0x1d: {  	s28 =	simm.s32 $0x2000;
	[sflag:s17] =	ssyncadd.s32 $0xFFFFF000  }
0x1e: {  	[tilespmem:s28], [sflag:$0x2] =	stream.strided.gather [hbm4b:s8+s15], $0x1000, s16, s15, $0x38;
	[tilespmem:$0x8500] =	vst v63  }
0x1f: {  	_ =	swait.ge [sflag:s17], $0x1000  }
0x20: {  	[sflag:s17] =	ssyncset.done $0x0  }
0x21: {  	[sflag:s17] =	ssyncadd.s32 $0xFFFFF000  }
0x22: {  	[tilespmem:s20], [sflag:$0x2] =	stream.strided.gather [hbm4b:s9+s15], $0x100, s16, s15, $0x38;
	[tilespmem:$0x8500] =	vst v63  }
0x23: {  	_ =	swait.ge [sflag:s17], $0x100  }
0x24: {  	[sflag:s17] =	ssyncset.done $0x0  }
0x25: {  	[sflag:s17] =	ssyncadd.s32 $0xFFFFFF00  }
0x26: {  	[tilespmem:s21], [sflag:$0x2] =	stream.strided.gather [hbm4b:s10+s15], $0x100, s16, s15, $0x38;
	[tilespmem:$0x8500] =	vst v63  }
0x27: {  	_ =	swait.ge [sflag:s17], $0x100  }
0x28: {  	[sflag:s17] =	ssyncset.done $0x0  }
0x29: {  	[sflag:s17] =	ssyncadd.s32 $0xFFFFFF00  }
0x2a: {  	[tilespmem:s22], [sflag:$0x2] =	stream.strided.gather [hbm4b:s11+s15], $0x100, s16, s15, $0x38;
	[tilespmem:$0x8500] =	vst v63  }
0x2b: {  	_ =	swait.ge [sflag:s17], $0x100  }
0x2c: {  	[sflag:s17] =	ssyncset.done $0x0  }
0x2d: {  	s31 =	simm.s32 $0x7300;
	[sflag:s17] =	ssyncadd.s32 $0xFFFFFF00  }
0x2e: {  	[tilespmem:s31], [sflag:$0x2] =	stream.linear.gather [hbm4b:s4+s2], $0x100, $0x38;
	[tilespmem:$0x8500] =	vst v63  }
0x2f: {  	_ =	swait.ge [sflag:s17], $0x100  }
0x30: {  	[sflag:s17] =	ssyncset.done $0x0  }
0x31: {  	s1 =	simm.s32 $0x0;
	[sflag:s17] =	ssyncadd.s32 $0xFFFFFF00  }
0x32: {  	v4 =	vld [tilespmem:s1+$0x0]  }
0x33: {  	v5 =	vld [tilespmem:s1+$0x1000]  }
0x34: {  	v8 =	vld [tilespmem:s1+$0x2000];
	_ =	sdelay $0x3  }
0x35: {  	s0 =	simm.s32 $0x10;
	v7 =	vmul.f32 v4, v4;
	v9 =	vmul.f32 v5, v5;
	v10 =	vshrl.u32 v4, $0x10  }
0x36: {  	v6 =	vld [tilespmem:s0+$0x0];
	v11 =	vshrl.u32 v5, $0x10;
	v12 =	vmul.f32 v8, v8;
	v13 =	vshrl.u32 v8, $0x10  }
0x37: {  	v10 =	vand.u32 $0x1, v10;
	v11 =	vand.u32 $0x1, v11;
	v9 =	vadd.f32 v9, v7;
	v7 =	vld [tilespmem:s0+$0x1000]  }
0x38: {  	v10 =	vadd.s32 v10, v4;
	v5 =	vadd.s32 v11, v5;
	v11 =	vand.u32 $0x1, v13  }
0x39: {  	v4 =	vld [tilespmem:s0+$0x2000];
	v10 =	vadd.s32 $0x7FFF, v10;
	v8 =	vadd.s32 v11, v8  }
0x3a: {  	v5 =	vadd.s32 $0x7FFF, v5;
	v9 =	vadd.f32 v12, v9;
	v10 =	vand.u32 $0xFFFF0000, v10  }
0x3b: {  	v11 =	vshrl.u32 v6, $0x10;
	v8 =	vadd.s32 $0x7FFF, v8;
	v13 =	vand.u32 $0xFFFF0000, v5;
	[tilespmem:s1+$0x4000] =	vst v10  }
0x3c: {  	s18 =	simm.s32 $0x20;
	[tilespmem:s1+$0x3000] =	vst v9;
	v9 =	vmul.f32 v6, v6;
	v14 =	vshrl.u32 v7, $0x10;
	v12 =	vmul.f32 v7, v7  }
0x3d: {  	s19 =	simm.s32 $0xC0;
	v8 =	vand.u32 $0xFFFF0000, v8;
	v10 =	vand.u32 $0x1, v11;
	v5 =	vld [tilespmem:s18+$0x0];
	[tilespmem:s1+$0x5000] =	vst v13;
	v11 =	vand.u32 $0x1, v14  }
.LBB2_2:
0x3e: {  	p0 =	sne.s32 s19, $0x3FC0;
	v13 =	vld [tilespmem:s18+$0x1000];
	v9 =	vadd.f32 v12, v9;
	v12 =	vmul.f32 v4, v4;
	v14 =	vshrl.u32 v4, $0x10;
	[tilespmem:s1+$0x6000] =	vst v8;
	s1 =	smov.u32 s0;
	s0 =	smov.u32 s18  }
0x3f: {  	v6 =	vadd.s32 v10, v6;
	v7 =	vadd.s32 v11, v7;
	v8 =	vand.u32 $0x1, v14  }
.Ltmp0:
0x40: {  	v15 =	vadd.s32 $0x7FFF, v6;
	v9 =	vadd.f32 v12, v9;
	v8 =	vadd.s32 v8, v4;
	v4 =	vld [tilespmem:s0+$0x2000];
	(pc) =	sbr.rel @p0 .LBB2_2-.Ltmp0, $4  }
0x41: {  	v10 =	vand.u32 $0xFFFF0000, v15;
	v12 =	vadd.s32 $0x7FFF, v7;
	v16 =	vadd.s32 $0x7FFF, v8  }
0x42: {  	v14 =	vand.u32 $0xFFFF0000, v12;
	v11 =	vshrl.u32 v5, $0x10;
	[tilespmem:s1+$0x3000] =	vst v9;
	v8 =	vand.u32 $0xFFFF0000, v16;
	v6 =	vmovc v5  }
0x43: {  	s18 =	sshra.s32 s19, $0x2;
	v9 =	vmul.f32 v5, v6;
	v12 =	vmul.f32 v13, v13;
	v15 =	vshrl.u32 v13, $0x10;
	[tilespmem:s1+$0x4000] =	vst v10;
	v7 =	vmovc v13  }
0x44: {  	s19 =	sadd.s32 $0x40, s19;
	v10 =	vand.u32 $0x1, v11;
	v5 =	vld [tilespmem:s18+$0x0];
	v11 =	vand.u32 $0x1, v15;
	[tilespmem:s1+$0x5000] =	vst v14  }
0x45: {  	v13 =	vld [tilespmem:s18+$0x1000];
	v9 =	vadd.f32 v12, v9;
	v60 =	vmul.f32 v4, v4;
	v14 =	vshrl.u32 v4, $0x10;
	[tilespmem:s1+$0x6000] =	vst v8  }
0x46: {  	v6 =	vadd.s32 v10, v6;
	v7 =	vadd.s32 v11, v7;
	v8 =	vand.u32 $0x1, v14;
	v10 =	vld [tilespmem:s18+$0x2000]  }
0x47: {  	v6 =	vadd.s32 $0x7FFF, v6;
	v7 =	vadd.s32 $0x7FFF, v7;
	v9 =	vadd.f32 v60, v9  }
0x48: {  	v4 =	vadd.s32 v8, v4;
	v6 =	vand.u32 $0xFFFF0000, v6;
	v7 =	vand.u32 $0xFFFF0000, v7  }
0x49: {  	v4 =	vadd.s32 $0x7FFF, v4;
	v8 =	vshrl.u32 v5, $0x10;
	v11 =	vmul.f32 v5, v5  }
0x4a: {  	[tilespmem:s0+$0x4000] =	vst v6;
	v4 =	vand.u32 $0xFFFF0000, v4;
	v61 =	vmul.f32 v13, v13;
	v62 =	vshrl.u32 v13, $0x10  }
0x4b: {  	[tilespmem:s0+$0x5000] =	vst v7;
	v8 =	vand.u32 $0x1, v8;
	v6 =	vand.u32 $0x1, v62;
	v63 =	vshrl.u32 v10, $0x10  }
0x4c: {  	[tilespmem:s0+$0x3000] =	vst v9;
	v5 =	vadd.s32 v8, v5;
	v9 =	vadd.f32 v61, v11;
	v11 =	vmul.f32 v10, v10  }
0x4d: {  	[tilespmem:s0+$0x6000] =	vst v4;
	v6 =	vadd.s32 v6, v13;
	v7 =	vand.u32 $0x1, v63;
	v4 =	vadd.s32 $0x7FFF, v5  }
0x4e: {  	v5 =	vadd.s32 v7, v10;
	v6 =	vadd.s32 $0x7FFF, v6;
	v4 =	vand.u32 $0xFFFF0000, v4  }
0x4f: {  	v7 =	vimm.f32 $0.0e+00;
	v8 =	vadd.f32 v11, v9;
	v6 =	vand.u32 $0xFFFF0000, v6;
	[tilespmem:s18+$0x4000] =	vst v4  }
0x50: {  	v10 =	vimm.f32 $0.0e+00;
	v5 =	vadd.s32 $0x7FFF, v5;
	v4 =	vimm.f32 $0.0e+00;
	[tilespmem:s18+$0x5000] =	vst v6  }
0x51: {  	v11 =	vimm.f32 $0.0e+00;
	v9 =	vand.u32 $0xFFFF0000, v5;
	v5 =	vimm.f32 $0.0e+00;
	[tilespmem:s18+$0x3000] =	vst v8  }
0x52: {  	s31 =	simm.s32 $0x0;
	v6 =	vimm.f32 $0.0e+00;
	v8 =	vimm.f32 $0.0e+00;
	[tilespmem:s18+$0x6000] =	vst v9;
	v9 =	vimm.f32 $0.0e+00  }
.LBB2_4:
0x53: {  	v14 =	vmov s31;
	_ =	sdelay $0x4  }
0x54: {  	v12 =	vld.idx.msk [tilespmem:v14+s20+$0x0], $0xffff  }
0x55: {  	v13 =	vld.idx.msk [tilespmem:v14+s21+$0x0], $0xffff;
	_ =	sdelay $0x1  }
0x56: {  	v14 =	vld.idx.msk [tilespmem:v14+s22+$0x0], $0xffff  }
0x57: {  	s0 =	simm.s32 $0x4000  }
0x58: {  	s1 =	simm.s32 $0x5000;
	v15 =	vld [tilespmem:s0+$0x0]  }
0x59: {  	v19 =	vld [tilespmem:s1+$0x0];
	v18 =	vmul.f32 v12, v12;
	v16 =	vshrl.u32 v12, $0x10;
	v17 =	vshrl.u32 v13, $0x10  }
0x5a: {  	s1 =	simm.s32 $0x6000;
	v20 =	vmul.f32 v13, v13;
	v16 =	vand.u32 $0x1, v16;
	v17 =	vand.u32 $0x1, v17  }
0x5b: {  	v22 =	vld [tilespmem:s1+$0x0];
	v21 =	vshrl.u32 v14, $0x10;
	v16 =	vadd.s32 v16, v12;
	v17 =	vadd.s32 v17, v13  }
0x5c: {  	v21 =	vand.u32 $0x1, v21;
	v16 =	vadd.s32 $0x7FFF, v16;
	v17 =	vadd.s32 $0x7FFF, v17  }
0x5d: {  	v21 =	vadd.s32 v21, v14;
	v16 =	vand.u32 $0xFFFF0000, v16;
	v17 =	vand.u32 $0xFFFF0000, v17  }
0x5e: {  	s0 =	simm.s32 $0x3000;
	v21 =	vadd.s32 $0x7FFF, v21;
	v15 =	vmul.f32 v16, v15;
	v19 =	vmul.f32 v17, v19  }
0x5f: {  	v20 =	vadd.f32 v20, v18;
	v18 =	vand.u32 $0xFFFF0000, v21;
	v21 =	vld [tilespmem:s0+$0x0]  }
0x60: {  	v23 =	vmul.f32 v14, v14;
	v22 =	vmul.f32 v18, v22;
	v15 =	vadd.f32 v19, v15;
	_ =	sdelay $0x1  }
0x61: {  	v19 =	vadd.f32 v23, v20;
	v15 =	vadd.f32 v22, v15;
	_ =	sdelay $0x1  }
0x62: {  	v20 =	vadd.f32 v21, v19;
	v15 =	vadd.f32 v15, v15;
	_ =	sdelay $0x1  }
0x63: {  	v15 =	vsub.f32 v20, v15;
	_ =	sdelay $0x1  }
0x64: {  	v20 =	vmax.f32 v15, $0.0e+00  }
0x65: {  	vm0 =	vlt.f32 v20, $2.559999750e-02  }
0x66: {  	v15 =	vsel vm0, $0x1, v2  }
0x67: {  	(xrf0) =	vadd.scan.msk.s32 $0xffff, v15;
	_ =	sdelay $0x5  }
0x68: {  	v21 =	vimm.s32 $0x0;
	v15, _, _ =	vpop (xrf0)  }
0x69: {  	v15 =	vadd.s32 v15, v21  }
0x6a: {  	v15 =	vadd.s32 $0xFFFFFFFF, v15  }
0x6b: {  	vm1 =	vlt.s32 v15, $0x20  }
0x6c: {  	vm1 =	vmand vm0, vm1;
	_ =	sdelay $0x4  }
0x6d: {  	v24 =	vor.u32 s30, v0;
	v22 =	vmpcnt.ones.xlane vm0  }
0x6e: {  	v25 =	vimm.f32 $1.000000020e+30;
	s19 =	simm.s32 $0x4010;
	[tilespmem:v15+s24+$0x0] =	vst.idx.msk vm1, v24  }
0x6f: {  	s23 =	simm.s32 $0x5010;
	vm15 =	vlt.f32 v20, v25;
	v15 =	vadd.s32 v21, v22;
	v23 =	vld [tilespmem:s19+$0x0]  }
0x70: {  	s18 =	simm.s32 $0x10;
	s28 =	simm.s32 $0x20;
	v22 =	vsel vm15, v20, v25;
	v21 =	vsel vm15, v24, v21;
	v24 =	vld [tilespmem:s23+$0x0];
	v20 =	vmov v15  }
.LBB2_5:
0x71: {  	p0 =	sne.s32 s28, $0xFF0;
	s1 =	sadd.s32 $0x10, s1  }
0x72: {  	v25 =	vld [tilespmem:s1+$0x0];
	_ =	sdelay $0x2  }
0x73: {  	s0 =	sadd.s32 $0x10, s0;
	v23 =	vmul.f32 v16, v23;
	v24 =	vmul.f32 v17, v24  }
0x74: {  	v26 =	vld [tilespmem:s0+$0x0]  }
0x75: {  	v23 =	vadd.f32 v24, v23;
	v24 =	vmul.f32 v18, v25;
	_ =	sdelay $0x1  }
0x76: {  	v23 =	vadd.f32 v24, v23;
	_ =	sdelay $0x1  }
0x77: {  	v24 =	vadd.f32 v26, v19;
	v23 =	vadd.f32 v23, v23;
	_ =	sdelay $0x1  }
0x78: {  	v23 =	vsub.f32 v24, v23;
	_ =	sdelay $0x1  }
0x79: {  	v23 =	vmax.f32 v23, $0.0e+00  }
0x7a: {  	vm1 =	vlt.f32 v23, $2.559999750e-02;
	vm0 =	vlt.f32 v23, v22  }
0x7b: {  	v24 =	vsel vm1, $0x1, v2;
	v25 =	vmpcnt.ones.xlane vm1;
	v22 =	vsel vm0, v23, v22  }
0x7c: {  	(xrf0) =	vadd.scan.msk.s32 $0xffff, v24  }
0x7d: {  	v15 =	vadd.s32 v15, v25;
	_ =	sdelay $0x4  }
0x7e: {  	v23, _, _ =	vpop (xrf0)  }
0x7f: {  	v23 =	vadd.s32 v23, v20;
	v20 =	vmov v15  }
0x80: {  	v23 =	vadd.s32 $0xFFFFFFFF, v23  }
0x81: {  	vm2 =	vlt.s32 v23, $0x20  }
0x82: {  	vm1 =	vmand vm1, vm2;
	_ =	sdelay $0x3  }
.Ltmp1:
0x83: {  	(pc) =	sbr.rel @p0 .LBB2_5-.Ltmp1, $4  }
0x84: {  	v24 =	vor.u32 s18, v0;
	s18 =	smov.u32 s28  }
0x85: {  	s19 =	sadd.s32 $0x10, s19;
	v21 =	vsel vm0, v24, v21;
	[tilespmem:v23+s24+$0x0] =	vst.idx.msk vm1, v24  }
0x86: {  	s23 =	sadd.s32 $0x10, s23;
	v23 =	vld [tilespmem:s19+$0x0]  }
0x87: {  	s28 =	sadd.s32 $0x10, s28;
	v24 =	vld [tilespmem:s23+$0x0]  }
0x88: {  	s1 =	sadd.s32 $0x10, s1  }
0x89: {  	v25 =	vld [tilespmem:s1+$0x0];
	_ =	sdelay $0x2  }
0x8a: {  	s0 =	sadd.s32 $0x10, s0;
	v16 =	vmul.f32 v16, v23;
	v17 =	vmul.f32 v17, v24  }
0x8b: {  	v60 =	vld [tilespmem:s0+$0x0]  }
0x8c: {  	v16 =	vadd.f32 v17, v16;
	v17 =	vmul.f32 v18, v25;
	_ =	sdelay $0x1  }
0x8d: {  	v16 =	vadd.f32 v17, v16;
	_ =	sdelay $0x1  }
0x8e: {  	v17 =	vadd.f32 v60, v19;
	v16 =	vadd.f32 v16, v16;
	_ =	sdelay $0x1  }
0x8f: {  	v16 =	vsub.f32 v17, v16;
	_ =	sdelay $0x1  }
0x90: {  	v16 =	vmax.f32 v16, $0.0e+00  }
0x91: {  	vm0 =	vlt.f32 v16, $2.559999750e-02  }
0x92: {  	vm1 =	vlt.f32 v16, v22;
	v17 =	vsel vm0, $0x1, v2  }
0x93: {  	v16 =	vsel vm1, v16, v22;
	(xrf0) =	vadd.scan.msk.s32 $0xffff, v17  }
0x94: {  	(xrf0) =	vmin.scan.msk.f32 $0xffff, v16;
	_ =	sdelay $0x4  }
0x95: {  	v17, _, _ =	vpop (xrf0)  }
0x96: {  	v18, _, _ =	vpop (xrf0)  }
0x97: {  	v19 =	vor.u32 s18, v0;
	v18 =	vbroadcast v18, $0xF  }
0x98: {  	v21 =	vsel vm1, v19, v21  }
0x99: {  	vm12 =	veq.f32 v16, v18;
	v16 =	vxor.u32 $0x80000000, v21  }
0x9a: {  	v16 =	vnsel vm12, $0xC0000000, v16  }
0x9b: {  	(xrf0) =	vmin.scan.msk.u32 $0xffff, v16;
	_ =	sdelay $0x5  }
0x9c: {  	v16, _, _ =	vpop (xrf0)  }
0x9d: {  	(v2sf) =	vpush v16, $0xF;
	_ =	sdelay $0x1  }
0x9e: {  	v16 =	vadd.s32 v17, v20  }
0x9f: {  	v16 =	vadd.s32 $0xFFFFFFFF, v16  }
0xa0: {  	vm13 =	vlt.s32 v16, $0x20  }
0xa1: {  	vm1 =	vmand vm0, vm13;
	_ =	sdelay $0x5  }
0xa2: {  	[tilespmem:v16+s24+$0x0] =	vst.idx.msk vm1, v19  }
0xa3: {  	v16 =	vld [tilespmem:$0x7400]  }
0xa4: {  	v17 =	vmpcnt.ones.xlane vm0;
	v18 =	vld [tilespmem:$0x7410];
	_ =	sdelay $0x1  }
0xa5: {  	v15 =	vadd.s32 v15, v17;
	s28 =	spop (v2sf)  }
0xa6: {  	vm14 =	vgt.s32 v15, v0;
	s0 =	sxor.u32 $0x80000000, s28  }
0xa7: {  	vm15 =	vgt.s32 v15, v3;
	v16 =	vnsel vm14, s0, v16  }
0xa8: {  	v15 =	vadd.s32 v1, v16;
	v16 =	vnsel vm15, s0, v18  }
0xa9: {  	[tilespmem:$0x7400] =	vst v15;
	v15 =	vadd.s32 v1, v16  }
0xaa: {  	[tilespmem:$0x7410] =	vst v15  }
0xab: {  	[tilespmem:s26], [sflag:$0x1] =	stream.indirect.gather [hbm4b:s5+s25], $0x80, s24, s25, $0xb8;
	[tilespmem:$0x8500] =	vst v63  }
0xac: {  	_ =	swait.ge [sflag:s3], $0x1000  }
0xad: {  	[sflag:s3] =	ssyncset.done $0x0  }
0xae: {  	[sflag:s3] =	ssyncadd.s32 $0xFFFFF000  }
0xaf: {  	v15 =	vld [tilespmem:$0x7340]  }
0xb0: {  	v16 =	vld [tilespmem:$0x7300];
	_ =	sdelay $0x1  }
0xb1: {  	v17 =	vld [tilespmem:$0x7380];
	_ =	sdelay $0x2  }
0xb2: {  	s1 =	simm.s32 $0x0;
	v16 =	vmul.f32 v16, v12;
	v15 =	vmul.f32 v15, v13  }
0xb3: {  	v18 =	vld [tilespmem:s1+$0x7480]  }
0xb4: {  	v15 =	vadd.f32 v15, v16;
	v16 =	vmul.f32 v17, v14;
	_ =	sdelay $0x1  }
0xb5: {  	v15 =	vadd.f32 v16, v15;
	_ =	sdelay $0x1  }
0xb6: {  	v15 =	vsub.f32 v18, v15;
	_ =	sdelay $0x1  }
0xb7: {  	[tilespmem:s1+$0x7480] =	vst v15  }
0xb8: {  	v16 =	vld [tilespmem:$0x7310]  }
0xb9: {  	v17 =	vld [tilespmem:$0x7350];
	_ =	sdelay $0x1  }
0xba: {  	v18 =	vld [tilespmem:$0x7390];
	_ =	sdelay $0x2  }
0xbb: {  	v16 =	vmul.f32 v16, v12;
	v17 =	vmul.f32 v17, v13  }
0xbc: {  	v19 =	vld [tilespmem:s1+$0x7490]  }
0xbd: {  	v16 =	vadd.f32 v17, v16;
	v17 =	vmul.f32 v18, v14;
	_ =	sdelay $0x1  }
0xbe: {  	v16 =	vadd.f32 v17, v16;
	_ =	sdelay $0x1  }
0xbf: {  	v16 =	vsub.f32 v19, v16;
	_ =	sdelay $0x1  }
0xc0: {  	[tilespmem:s1+$0x7490] =	vst v16  }
0xc1: {  	v17 =	vld [tilespmem:$0x7320]  }
0xc2: {  	v18 =	vld [tilespmem:$0x7360];
	_ =	sdelay $0x1  }
0xc3: {  	v19 =	vld [tilespmem:$0x73A0];
	_ =	sdelay $0x2  }
0xc4: {  	v17 =	vmul.f32 v17, v12;
	v18 =	vmul.f32 v18, v13  }
0xc5: {  	v61 =	vld [tilespmem:s1+$0x74A0]  }
0xc6: {  	v17 =	vadd.f32 v18, v17;
	v18 =	vmul.f32 v19, v14;
	_ =	sdelay $0x1  }
0xc7: {  	v17 =	vadd.f32 v18, v17;
	_ =	sdelay $0x1  }
0xc8: {  	v17 =	vsub.f32 v61, v17;
	_ =	sdelay $0x1  }
0xc9: {  	[tilespmem:s1+$0x74A0] =	vst v17  }
0xca: {  	v18 =	vld [tilespmem:$0x7330]  }
0xcb: {  	v19 =	vld [tilespmem:$0x7370];
	_ =	sdelay $0x2  }
0xcc: {  	v62 =	vld [tilespmem:$0x73B0]  }
0xcd: {  	v63 =	vmul.f32 v15, v15  }
0xce: {  	v11 =	vadd.f32 v15, v11;
	v15 =	vmul.f32 v18, v12;
	v18 =	vmul.f32 v19, v13;
	_ =	sdelay $0x1  }
0xcf: {  	v10 =	vadd.f32 v16, v10;
	v16 =	vmul.f32 v16, v16;
	v18 =	vadd.f32 v18, v15;
	v15 =	vld [tilespmem:s1+$0x74B0]  }
0xd0: {  	v7 =	vadd.f32 v63, v7;
	v19 =	vmul.f32 v17, v17;
	v20 =	vmul.f32 v62, v14  }
0xd1: {  	v6 =	vadd.f32 v16, v6;
	v9 =	vadd.f32 v17, v9  }
0xd2: {  	s0 =	simm.s32 $0x200;
	v5 =	vadd.f32 v19, v5;
	v16 =	vadd.f32 v20, v18  }
.LBB2_7:
0xd3: {  	_ = 	snop  }
0xd4: {  	p0 =	sne.s32 s0, $0x3E00;
	s18 =	smov.u32 s0;
	s0 =	sadd.s32 $0x200, s0;
	v15 =	vsub.f32 v15, v16  }
0xd5: {  	_ = 	snop  }
0xd6: {  	[tilespmem:s1+$0x74B0] =	vst v15;
	v8 =	vadd.f32 v15, v8;
	v15 =	vmul.f32 v15, v15  }
0xd7: {  	v16 =	vld [tilespmem:$0x7340]  }
0xd8: {  	v17 =	vld [tilespmem:$0x7300];
	v4 =	vadd.f32 v15, v4;
	_ =	sdelay $0x1  }
0xd9: {  	v15 =	vld [tilespmem:$0x7380];
	_ =	sdelay $0x2  }
0xda: {  	s1 =	sshra.s32 s18, $0x2;
	v16 =	vmul.f32 v16, v13;
	v17 =	vmul.f32 v17, v12  }
0xdb: {  	v18 =	vld [tilespmem:s1+$0x7480]  }
0xdc: {  	v16 =	vadd.f32 v16, v17;
	v15 =	vmul.f32 v15, v14;
	_ =	sdelay $0x1  }
0xdd: {  	v15 =	vadd.f32 v15, v16;
	_ =	sdelay $0x1  }
0xde: {  	v15 =	vsub.f32 v18, v15;
	_ =	sdelay $0x1  }
0xdf: {  	[tilespmem:s1+$0x7480] =	vst v15;
	v11 =	vadd.f32 v15, v11;
	v15 =	vmul.f32 v15, v15  }
0xe0: {  	v16 =	vld [tilespmem:$0x7310]  }
0xe1: {  	v7 =	vadd.f32 v15, v7;
	v15 =	vld [tilespmem:$0x7350];
	_ =	sdelay $0x1  }
0xe2: {  	v17 =	vld [tilespmem:$0x7390];
	_ =	sdelay $0x2  }
0xe3: {  	v16 =	vmul.f32 v16, v12;
	v15 =	vmul.f32 v15, v13  }
0xe4: {  	v18 =	vld [tilespmem:s1+$0x7490]  }
0xe5: {  	v15 =	vadd.f32 v15, v16;
	v16 =	vmul.f32 v17, v14;
	_ =	sdelay $0x1  }
0xe6: {  	v15 =	vadd.f32 v16, v15;
	_ =	sdelay $0x1  }
0xe7: {  	v15 =	vsub.f32 v18, v15;
	_ =	sdelay $0x1  }
0xe8: {  	[tilespmem:s1+$0x7490] =	vst v15;
	v10 =	vadd.f32 v15, v10;
	v15 =	vmul.f32 v15, v15  }
0xe9: {  	v16 =	vld [tilespmem:$0x7320]  }
0xea: {  	v6 =	vadd.f32 v15, v6;
	v15 =	vld [tilespmem:$0x7360];
	_ =	sdelay $0x1  }
0xeb: {  	v17 =	vld [tilespmem:$0x73A0];
	_ =	sdelay $0x2  }
0xec: {  	v16 =	vmul.f32 v16, v12;
	v15 =	vmul.f32 v15, v13  }
0xed: {  	v18 =	vld [tilespmem:s1+$0x74A0]  }
0xee: {  	v15 =	vadd.f32 v15, v16;
	v16 =	vmul.f32 v17, v14;
	_ =	sdelay $0x1  }
0xef: {  	v15 =	vadd.f32 v16, v15;
	_ =	sdelay $0x1  }
0xf0: {  	v15 =	vsub.f32 v18, v15;
	_ =	sdelay $0x1  }
0xf1: {  	[tilespmem:s1+$0x74A0] =	vst v15;
	v9 =	vadd.f32 v15, v9;
	v15 =	vmul.f32 v15, v15  }
0xf2: {  	v16 =	vld [tilespmem:$0x7330]  }
0xf3: {  	v5 =	vadd.f32 v15, v5;
	v15 =	vld [tilespmem:$0x7370]  }
0xf4: {  	v17 =	vld [tilespmem:$0x73B0];
	_ =	sdelay $0x3  }
.Ltmp2:
0xf5: {  	v16 =	vmul.f32 v16, v12;
	v18 =	vmul.f32 v15, v13;
	v15 =	vld [tilespmem:s1+$0x74B0];
	(pc) =	sbr.rel @p0 .LBB2_7-.Ltmp2, $3  }
0xf6: {  	v17 =	vmul.f32 v17, v14  }
0xf7: {  	v16 =	vadd.f32 v18, v16;
	_ =	sdelay $0x1  }
0xf8: {  	v16 =	vadd.f32 v17, v16  }
0xf9: {  	_ = 	snop  }
0xfa: {  	s0 =	sshll.u32 s31, $0x9;
	s31 =	sadd.s32 $0x1, s31;
	v12 =	vsub.f32 v15, v16  }
0xfb: {  	p0 =	sne.s32 s31, $0x100  }
.Ltmp3:
0xfc: {  	s0 =	sadd.s32 s0, s12;
	[tilespmem:s1+$0x74B0] =	vst v12;
	(pc) =	sbr.rel @p0 .LBB2_4-.Ltmp3, $4  }
0xfd: {  	[hbm4b:s0+s2] =	stream.linear.scatter [tilespmem:s26], [sflag:$0x2], $0x1000, $0x38;
	[tilespmem:$0x8500] =	vst v63  }
0xfe: {  	v13 =	vmul.f32 v12, v12;
	_ =	swait.ge [sflag:s17], $0x1000  }
0xff: {  	[sflag:s17] =	ssyncset.done $0x0  }
0x100: {  	v8 =	vadd.f32 v12, v8;
	v4 =	vadd.f32 v13, v4;
	[sflag:s17] =	ssyncadd.s32 $0xFFFFF000  }
0x101: {  	[tilespmem:$0x8480] =	vst v11  }
0x102: {  	[tilespmem:$0x8490] =	vst v10  }
0x103: {  	[tilespmem:$0x84A0] =	vst v9  }
0x104: {  	[tilespmem:$0x84C0] =	vst v7  }
0x105: {  	[tilespmem:$0x84D0] =	vst v6  }
0x106: {  	[tilespmem:$0x84E0] =	vst v5;
	s29 =	sadd.s32 $0x1, s29  }
0x107: {  	[tilespmem:$0x84B0] =	vst v8;
	p0 =	sne.s32 s29, s14  }
.Ltmp4:
0x108: {  	s0 =	simm.s32 $0x8480;
	[tilespmem:$0x84F0] =	vst v4;
	(pc) =	sbr.rel @p0 .LBB2_1-.Ltmp4, $4  }
0x109: {  	[hbm4b:s13+s2] =	stream.linear.scatter [tilespmem:s0], [sflag:$0x2], $0x80, $0x38;
	[tilespmem:$0x8500] =	vst v63  }
0x10a: {  	_ =	swait.ge [sflag:s17], $0x80  }
0x10b: {  	[sflag:s17] =	ssyncset.done $0x0  }
0x10c: {  	[sflag:s17] =	ssyncadd.s32 $0xFFFFFF80  }
0x10d: {  	_ =	sfence.sel $0x180000  }
0x10e: {  	[bflag:$0x0] =	sbarrier.arrive $0xFFFF  }
0x10f: {  	_ =	strace $0x9000004A  }
0x110: {  	s0 =	stileid.u32;
	[bflag:$0x2] =	sbarrier.arrive $0xFFFF  }
0x111: {  	p0 =	sne.s32 s0, $0x0;
	s0 =	rddreg [dreg:$0x2]  }
0x112: {  	s0 =	sadd.s32 @!p0 $0x100000, s0  }
0x113: {  	[sflag:s0] =	ssyncadd.tile.s32 @!p0 $0x1;
	_ =	shalt  }
.Lfunc_end2:
_tile_overlayer_lowered:
.L_overlay_start_2:
0x114: {  	(tag) =	ssettag $0x2  }
0x115: {  	s0 =	rddreg [dreg:$0x0];
	s2 =	stileid.u32  }
0x116: {  	s1 =	rddreg [dreg:$0x1];
	p0 =	sne.s32 s2, $0x0  }
0x117: {  	s3 =	rddreg [dreg:$0x2];
	[bflag:$0x3] =	sbarrier.arrive $0xFFFF;
	s2 =	simm.s32 @!p0 $0x1C02  }
0x118: {  	[timem:s3], [sflag:s2] =	dma.local @!p0 [hbm:s0], s1  }
0x119: {  	s0 =	simm.s32 @!p0 $0x2  }
0x11a: {  	_ =	swait.ge @!p0 [sflag:s0], s1  }
0x11b: {  	s1 =	ssub.s32 @!p0 $0x0, s1;
	[sflag:s0] =	ssyncset.done @!p0 $0x0  }
0x11c: {  	[sflag:s0] =	ssyncadd.s32 @!p0 s1  }
0x11d: {  	[bflag:$0x3] =	sbarrier.arrive $0xFFFF  }
0x11e: {  	_ =	shalt  }

</sc_bundles>
